<compile_context>
chip_gen: v7x
topology: tpu7x:2x2x1
jax: 0.10.2.dev20260603
libtpu: 0.0.44.dev20260713+nightly
codegen_flags: <defaults>
</compile_context>

<pallas_src>
import jax
import jax.numpy as jnp
from jax import lax
from jax.experimental import pallas as pl
from jax.experimental.pallas import tpu as pltpu
from jax.experimental.pallas import tpu_sc as plsc

B, S, D = 4096, 50, 128
NC, NS = 2, 16
NW = NC * NS
BPW = B // NW
CH = 64
NSTEP = S * BPW // CH
NBUF = 10
NGRP = NSTEP // NBUF


def _emb_body(x_hbm, w_hbm, out_hbm, idx_v, rows_v, gsems, osems):
    wid = lax.axis_index("s") * NC + lax.axis_index("c")
    b0 = wid * BPW

    pltpu.sync_copy(x_hbm.at[wid], idx_v)

    def gstart(b, step):
        pltpu.async_copy(w_hbm.at[idx_v.at[step // 2, pl.ds((step % 2) * CH, CH)]],
                         rows_v.at[b], gsems.at[b])

    def gwait(b):
        pltpu.make_async_copy(w_hbm.at[idx_v.at[0, pl.ds(0, CH)]], rows_v.at[b],
                              gsems.at[b]).wait()

    def wstart(b, step):
        pltpu.async_copy(rows_v.at[b],
                         out_hbm.at[step // 2, pl.ds(b0 + (step % 2) * CH, CH)],
                         osems.at[b])

    def wwait(b):
        pltpu.make_async_copy(rows_v.at[b], out_hbm.at[0, pl.ds(b0, CH)],
                              osems.at[b]).wait()

    for b in range(NBUF):
        gstart(b, b)

    def group(g, _):
        for b in range(NBUF):
            gwait(b)
            wstart(b, g * NBUF + b)
        for b in range(NBUF):
            wwait(b)
            nxt = (g + 1) * NBUF + b

            @pl.when(g < NGRP - 1)
            def _():
                gstart(b, nxt)
        return _

    lax.fori_loop(0, NGRP, group, None)


@jax.jit
def _emb(xw, weight):
    kern = pl.kernel(
        _emb_body,
        out_type=jax.ShapeDtypeStruct((S, B, D), jnp.float32),
        mesh=plsc.VectorSubcoreMesh(core_axis_name="c", subcore_axis_name="s"),
        compiler_params=pltpu.CompilerParams(use_tc_tiling_on_sc=True),
        scratch_types=[
            pltpu.VMEM((S, BPW), jnp.int32),
            pltpu.VMEM((NBUF, CH, D), jnp.float32),
            pltpu.SemaphoreType.DMA((NBUF,)),
            pltpu.SemaphoreType.DMA((NBUF,)),
        ],
    )
    return kern(xw, weight).transpose(1, 0, 2)


def kernel(x, weight):
    xw = x.astype(jnp.int32).reshape(NW, BPW, S).transpose(0, 2, 1)
    return _emb(xw, weight)

# --- scband reference (transcript-rebuilt; emitter-appended) ---
"""Pipeline reference for scband-meta-embedding-66245575573654 (READ-ONLY COPY).

The authoritative reference and input builder live on the scoring server;
editing this copy changes nothing except your own understanding.
"""

import jax, jax.numpy as jnp
import numpy as np

NUM_EMBEDDINGS = 100000
EMBEDDING_DIM = 128
PADDING_IDX = 0

def setup_inputs(seed: int = 0) -> dict:
    key = jax.random.key(seed)
    k1, k2 = jax.random.split(key)
    x = jax.random.randint(k1, (4096, 50), 0, NUM_EMBEDDINGS, dtype=jnp.int64 if jax.config.jax_enable_x64 else jnp.int32)
    weight = jax.random.normal(k2, (NUM_EMBEDDINGS, EMBEDDING_DIM), dtype=jnp.float32)
    # reset_parameters zeros out the padding row
    weight = weight.at[PADDING_IDX].set(0.0)
    return {"x": x, "weight": weight}

def reference(x, weight):
    # F.embedding(x, weight, padding_idx): gather of rows; padding_idx only
    # affects init (row zeroed) and the backward pass, not the forward gather.
    return jnp.take(weight, x, axis=0)

if __name__ == "__main__":
    import jax
    _d = setup_inputs()
    print(jax.jit(kernel)(*tuple(_d.values())))

</pallas_src>

<mosaic_0001>
#map = affine_map<(d0, d1) -> (0, 0, 0)>
#map1 = affine_map<(d0, d1) -> (0, 0)>
module attributes {stable_mosaic.version = 14 : i64} {
  func.func @_emb_body(%arg0: i32, %arg1: i32, %arg2: memref<32x50x128xi32, #tpu.memory_space<hbm>>, %arg3: memref<100000x128xf32, #tpu.memory_space<hbm>>, %arg4: memref<50x4096x128xf32, #tpu.memory_space<hbm>>, %arg5: memref<50x128xi32, #tpu.memory_space<vmem>>, %arg6: memref<10x64x128xf32, #tpu.memory_space<vmem>>, %arg7: memref<10x!tpu.dma_semaphore, #tpu.memory_space<semaphore_mem>>, %arg8: memref<10x!tpu.dma_semaphore, #tpu.memory_space<semaphore_mem>>) attributes {dimension_semantics = [#tpu.dimension_semantics<core_parallel>, #tpu.dimension_semantics<subcore_parallel>], iteration_bounds = array<i64: 2, 16>, scalar_prefetch = 0 : i64, scratch_operands = 4 : i64, tpu.core_type = #tpu.core_type<sc_vector_subcore>, window_params = [{transform_indices = #map}, {transform_indices = #map1}, {transform_indices = #map}]} {
    %mul3A = arith.constant 2 : i32
    %mul3A_0 = arith.muli %arg1, %mul3A : i32
    %add3A = arith.addi %mul3A_0, %arg0 : i32
    %mul3A_1 = arith.constant 128 : i32
    %mul3A_2 = arith.muli %add3A, %mul3A_1 : i32
    "tpu.region"() ({
      %run_scoped3A = tpu.sem_alloc : memref<!tpu.dma_semaphore, #tpu.memory_space<semaphore_mem>>
      %dma_start3A_156 = arith.constant 0 : i32
      %dma_start3A_157 = arith.constant 0 : i32
      %dma_start3A_158 = tpu.memref_slice %arg2[%add3A, %dma_start3A_156, %dma_start3A_157] : memref<32x50x128xi32, #tpu.memory_space<hbm>> -> memref<1x50x128xi32, #tpu.memory_space<hbm>>
      %dma_start3A_159 = tpu.memref_squeeze %dma_start3A_158 : memref<1x50x128xi32, #tpu.memory_space<hbm>> -> memref<50x128xi32, #tpu.memory_space<hbm>>
      %dma_start3A_160 = arith.constant 0 : i32
      %dma_start3A_161 = arith.constant 0 : i32
      %dma_start3A_162 = tpu.memref_slice %arg2[%add3A, %dma_start3A_160, %dma_start3A_161] : memref<32x50x128xi32, #tpu.memory_space<hbm>> -> memref<1x50x128xi32, #tpu.memory_space<hbm>>
      %dma_start3A_163 = tpu.memref_squeeze %dma_start3A_162 : memref<1x50x128xi32, #tpu.memory_space<hbm>> -> memref<50x128xi32, #tpu.memory_space<hbm>>
      tpu.enqueue_dma source(%dma_start3A_163 : memref<50x128xi32, #tpu.memory_space<hbm>>) target(%arg5 : memref<50x128xi32, #tpu.memory_space<vmem>>) target_semaphore(%run_scoped3A : memref<!tpu.dma_semaphore, #tpu.memory_space<semaphore_mem>>)
      %dma_wait3A = arith.constant 0 : i32
      %dma_wait3A_164 = arith.constant 0 : i32
      %dma_wait3A_165 = tpu.memref_slice %arg2[%add3A, %dma_wait3A, %dma_wait3A_164] : memref<32x50x128xi32, #tpu.memory_space<hbm>> -> memref<1x50x128xi32, #tpu.memory_space<hbm>>
      %dma_wait3A_166 = tpu.memref_squeeze %dma_wait3A_165 : memref<1x50x128xi32, #tpu.memory_space<hbm>> -> memref<50x128xi32, #tpu.memory_space<hbm>>
      %dma_wait3A_167 = arith.constant 0 : i32
      %dma_wait3A_168 = arith.constant 0 : i32
      %dma_wait3A_169 = tpu.memref_slice %arg2[%add3A, %dma_wait3A_167, %dma_wait3A_168] : memref<32x50x128xi32, #tpu.memory_space<hbm>> -> memref<1x50x128xi32, #tpu.memory_space<hbm>>
      %dma_wait3A_170 = tpu.memref_squeeze %dma_wait3A_169 : memref<1x50x128xi32, #tpu.memory_space<hbm>> -> memref<50x128xi32, #tpu.memory_space<hbm>>
      tpu.wait_dma2 semaphore(%run_scoped3A : memref<!tpu.dma_semaphore, #tpu.memory_space<semaphore_mem>>) src(%dma_wait3A_170 : memref<50x128xi32, #tpu.memory_space<hbm>>) dst(%arg5 : memref<50x128xi32, #tpu.memory_space<vmem>>)
      tpu.yield
    }) : () -> ()
    %dma_start3A = arith.constant 0 : i32
    %dma_start3A_3 = arith.constant 0 : i32
    %dma_start3A_4 = arith.constant 0 : i32
    %dma_start3A_5 = arith.constant 0 : i32
    %dma_start3A_6 = arith.constant 0 : i32
    %dma_start3A_7 = tpu.memref_slice %arg6[%dma_start3A_3, %dma_start3A_5, %dma_start3A_6] : memref<10x64x128xf32, #tpu.memory_space<vmem>> -> memref<1x64x128xf32, #tpu.memory_space<vmem>>
    %dma_start3A_8 = tpu.memref_squeeze %dma_start3A_7 : memref<1x64x128xf32, #tpu.memory_space<vmem>> -> memref<64x128xf32, #tpu.memory_space<vmem>>
    %dma_start3A_9 = arith.constant 0 : i32
    %dma_start3A_10 = tpu.memref_slice %arg5[%dma_start3A, %dma_start3A_9] : memref<50x128xi32, #tpu.memory_space<vmem>> -> memref<1x64xi32, #tpu.memory_space<vmem>>
    %dma_start3A_11 = tpu.memref_squeeze %dma_start3A_10 : memref<1x64xi32, #tpu.memory_space<vmem>> -> memref<64xi32, #tpu.memory_space<vmem>>
    %dma_start3A_12 = arith.constant 0 : i32
    %dma_start3A_13 = arith.constant 0 : i32
    %dma_start3A_14 = tpu.memref_slice %arg3[%dma_start3A_12, %dma_start3A_13] : memref<100000x128xf32, #tpu.memory_space<hbm>> -> memref<100000x128xf32, #tpu.memory_space<hbm>>
    %dma_start3A_15 = tpu.memref_slice %arg7[%dma_start3A_4] : memref<10x!tpu.dma_semaphore, #tpu.memory_space<semaphore_mem>> -> memref<1x!tpu.dma_semaphore, #tpu.memory_space<semaphore_mem>>
    %dma_start3A_16 = tpu.memref_squeeze %dma_start3A_15 : memref<1x!tpu.dma_semaphore, #tpu.memory_space<semaphore_mem>> -> memref<!tpu.dma_semaphore, #tpu.memory_space<semaphore_mem>>
    tpu.enqueue_indirect_dma source(%dma_start3A_14 : memref<100000x128xf32, #tpu.memory_space<hbm>>) target(%dma_start3A_8 : memref<64x128xf32, #tpu.memory_space<vmem>>) offsets(%dma_start3A_11 : memref<64xi32, #tpu.memory_space<vmem>>) semaphore(%dma_start3A_16 : memref<!tpu.dma_semaphore, #tpu.memory_space<semaphore_mem>>)
    %dma_start3A_17 = arith.constant 0 : i32
    %dma_start3A_18 = arith.constant 1 : i32
    %dma_start3A_19 = arith.constant 1 : i32
    %dma_start3A_20 = arith.constant 0 : i32
    %dma_start3A_21 = arith.constant 0 : i32
    %dma_start3A_22 = tpu.memref_slice %arg6[%dma_start3A_18, %dma_start3A_20, %dma_start3A_21] : memref<10x64x128xf32, #tpu.memory_space<vmem>> -> memref<1x64x128xf32, #tpu.memory_space<vmem>>
    %dma_start3A_23 = tpu.memref_squeeze %dma_start3A_22 : memref<1x64x128xf32, #tpu.memory_space<vmem>> -> memref<64x128xf32, #tpu.memory_space<vmem>>
    %dma_start3A_24 = arith.constant 64 : i32
    %dma_start3A_25 = tpu.memref_slice %arg5[%dma_start3A_17, %dma_start3A_24] : memref<50x128xi32, #tpu.memory_space<vmem>> -> memref<1x64xi32, #tpu.memory_space<vmem>>
    %dma_start3A_26 = tpu.memref_squeeze %dma_start3A_25 : memref<1x64xi32, #tpu.memory_space<vmem>> -> memref<64xi32, #tpu.memory_space<vmem>>
    %dma_start3A_27 = arith.constant 0 : i32
    %dma_start3A_28 = arith.constant 0 : i32
    %dma_start3A_29 = tpu.memref_slice %arg3[%dma_start3A_27, %dma_start3A_28] : memref<100000x128xf32, #tpu.memory_space<hbm>> -> memref<100000x128xf32, #tpu.memory_space<hbm>>
    %dma_start3A_30 = tpu.memref_slice %arg7[%dma_start3A_19] : memref<10x!tpu.dma_semaphore, #tpu.memory_space<semaphore_mem>> -> memref<1x!tpu.dma_semaphore, #tpu.memory_space<semaphore_mem>>
    %dma_start3A_31 = tpu.memref_squeeze %dma_start3A_30 : memref<1x!tpu.dma_semaphore, #tpu.memory_space<semaphore_mem>> -> memref<!tpu.dma_semaphore, #tpu.memory_space<semaphore_mem>>
    tpu.enqueue_indirect_dma source(%dma_start3A_29 : memref<100000x128xf32, #tpu.memory_space<hbm>>) target(%dma_start3A_23 : memref<64x128xf32, #tpu.memory_space<vmem>>) offsets(%dma_start3A_26 : memref<64xi32, #tpu.memory_space<vmem>>) semaphore(%dma_start3A_31 : memref<!tpu.dma_semaphore, #tpu.memory_space<semaphore_mem>>)
    %dma_start3A_32 = arith.constant 1 : i32
    %dma_start3A_33 = arith.constant 2 : i32
    %dma_start3A_34 = arith.constant 2 : i32
    %dma_start3A_35 = arith.constant 0 : i32
    %dma_start3A_36 = arith.constant 0 : i32
    %dma_start3A_37 = tpu.memref_slice %arg6[%dma_start3A_33, %dma_start3A_35, %dma_start3A_36] : memref<10x64x128xf32, #tpu.memory_space<vmem>> -> memref<1x64x128xf32, #tpu.memory_space<vmem>>
    %dma_start3A_38 = tpu.memref_squeeze %dma_start3A_37 : memref<1x64x128xf32, #tpu.memory_space<vmem>> -> memref<64x128xf32, #tpu.memory_space<vmem>>
    %dma_start3A_39 = arith.constant 0 : i32
    %dma_start3A_40 = tpu.memref_slice %arg5[%dma_start3A_32, %dma_start3A_39] : memref<50x128xi32, #tpu.memory_space<vmem>> -> memref<1x64xi32, #tpu.memory_space<vmem>>
    %dma_start3A_41 = tpu.memref_squeeze %dma_start3A_40 : memref<1x64xi32, #tpu.memory_space<vmem>> -> memref<64xi32, #tpu.memory_space<vmem>>
    %dma_start3A_42 = arith.constant 0 : i32
    %dma_start3A_43 = arith.constant 0 : i32
    %dma_start3A_44 = tpu.memref_slice %arg3[%dma_start3A_42, %dma_start3A_43] : memref<100000x128xf32, #tpu.memory_space<hbm>> -> memref<100000x128xf32, #tpu.memory_space<hbm>>
    %dma_start3A_45 = tpu.memref_slice %arg7[%dma_start3A_34] : memref<10x!tpu.dma_semaphore, #tpu.memory_space<semaphore_mem>> -> memref<1x!tpu.dma_semaphore, #tpu.memory_space<semaphore_mem>>
    %dma_start3A_46 = tpu.memref_squeeze %dma_start3A_45 : memref<1x!tpu.dma_semaphore, #tpu.memory_space<semaphore_mem>> -> memref<!tpu.dma_semaphore, #tpu.memory_space<semaphore_mem>>
    tpu.enqueue_indirect_dma source(%dma_start3A_44 : memref<100000x128xf32, #tpu.memory_space<hbm>>) target(%dma_start3A_38 : memref<64x128xf32, #tpu.memory_space<vmem>>) offsets(%dma_start3A_41 : memref<64xi32, #tpu.memory_space<vmem>>) semaphore(%dma_start3A_46 : memref<!tpu.dma_semaphore, #tpu.memory_space<semaphore_mem>>)
    %dma_start3A_47 = arith.constant 1 : i32
    %dma_start3A_48 = arith.constant 3 : i32
    %dma_start3A_49 = arith.constant 3 : i32
    %dma_start3A_50 = arith.constant 0 : i32
    %dma_start3A_51 = arith.constant 0 : i32
    %dma_start3A_52 = tpu.memref_slice %arg6[%dma_start3A_48, %dma_start3A_50, %dma_start3A_51] : memref<10x64x128xf32, #tpu.memory_space<vmem>> -> memref<1x64x128xf32, #tpu.memory_space<vmem>>
    %dma_start3A_53 = tpu.memref_squeeze %dma_start3A_52 : memref<1x64x128xf32, #tpu.memory_space<vmem>> -> memref<64x128xf32, #tpu.memory_space<vmem>>
    %dma_start3A_54 = arith.constant 64 : i32
    %dma_start3A_55 = tpu.memref_slice %arg5[%dma_start3A_47, %dma_start3A_54] : memref<50x128xi32, #tpu.memory_space<vmem>> -> memref<1x64xi32, #tpu.memory_space<vmem>>
    %dma_start3A_56 = tpu.memref_squeeze %dma_start3A_55 : memref<1x64xi32, #tpu.memory_space<vmem>> -> memref<64xi32, #tpu.memory_space<vmem>>
    %dma_start3A_57 = arith.constant 0 : i32
    %dma_start3A_58 = arith.constant 0 : i32
    %dma_start3A_59 = tpu.memref_slice %arg3[%dma_start3A_57, %dma_start3A_58] : memref<100000x128xf32, #tpu.memory_space<hbm>> -> memref<100000x128xf32, #tpu.memory_space<hbm>>
    %dma_start3A_60 = tpu.memref_slice %arg7[%dma_start3A_49] : memref<10x!tpu.dma_semaphore, #tpu.memory_space<semaphore_mem>> -> memref<1x!tpu.dma_semaphore, #tpu.memory_space<semaphore_mem>>
    %dma_start3A_61 = tpu.memref_squeeze %dma_start3A_60 : memref<1x!tpu.dma_semaphore, #tpu.memory_space<semaphore_mem>> -> memref<!tpu.dma_semaphore, #tpu.memory_space<semaphore_mem>>
    tpu.enqueue_indirect_dma source(%dma_start3A_59 : memref<100000x128xf32, #tpu.memory_space<hbm>>) target(%dma_start3A_53 : memref<64x128xf32, #tpu.memory_space<vmem>>) offsets(%dma_start3A_56 : memref<64xi32, #tpu.memory_space<vmem>>) semaphore(%dma_start3A_61 : memref<!tpu.dma_semaphore, #tpu.memory_space<semaphore_mem>>)
    %dma_start3A_62 = arith.constant 2 : i32
    %dma_start3A_63 = arith.constant 4 : i32
    %dma_start3A_64 = arith.constant 4 : i32
    %dma_start3A_65 = arith.constant 0 : i32
    %dma_start3A_66 = arith.constant 0 : i32
    %dma_start3A_67 = tpu.memref_slice %arg6[%dma_start3A_63, %dma_start3A_65, %dma_start3A_66] : memref<10x64x128xf32, #tpu.memory_space<vmem>> -> memref<1x64x128xf32, #tpu.memory_space<vmem>>
    %dma_start3A_68 = tpu.memref_squeeze %dma_start3A_67 : memref<1x64x128xf32, #tpu.memory_space<vmem>> -> memref<64x128xf32, #tpu.memory_space<vmem>>
    %dma_start3A_69 = arith.constant 0 : i32
    %dma_start3A_70 = tpu.memref_slice %arg5[%dma_start3A_62, %dma_start3A_69] : memref<50x128xi32, #tpu.memory_space<vmem>> -> memref<1x64xi32, #tpu.memory_space<vmem>>
    %dma_start3A_71 = tpu.memref_squeeze %dma_start3A_70 : memref<1x64xi32, #tpu.memory_space<vmem>> -> memref<64xi32, #tpu.memory_space<vmem>>
    %dma_start3A_72 = arith.constant 0 : i32
    %dma_start3A_73 = arith.constant 0 : i32
    %dma_start3A_74 = tpu.memref_slice %arg3[%dma_start3A_72, %dma_start3A_73] : memref<100000x128xf32, #tpu.memory_space<hbm>> -> memref<100000x128xf32, #tpu.memory_space<hbm>>
    %dma_start3A_75 = tpu.memref_slice %arg7[%dma_start3A_64] : memref<10x!tpu.dma_semaphore, #tpu.memory_space<semaphore_mem>> -> memref<1x!tpu.dma_semaphore, #tpu.memory_space<semaphore_mem>>
    %dma_start3A_76 = tpu.memref_squeeze %dma_start3A_75 : memref<1x!tpu.dma_semaphore, #tpu.memory_space<semaphore_mem>> -> memref<!tpu.dma_semaphore, #tpu.memory_space<semaphore_mem>>
    tpu.enqueue_indirect_dma source(%dma_start3A_74 : memref<100000x128xf32, #tpu.memory_space<hbm>>) target(%dma_start3A_68 : memref<64x128xf32, #tpu.memory_space<vmem>>) offsets(%dma_start3A_71 : memref<64xi32, #tpu.memory_space<vmem>>) semaphore(%dma_start3A_76 : memref<!tpu.dma_semaphore, #tpu.memory_space<semaphore_mem>>)
    %dma_start3A_77 = arith.constant 2 : i32
    %dma_start3A_78 = arith.constant 5 : i32
    %dma_start3A_79 = arith.constant 5 : i32
    %dma_start3A_80 = arith.constant 0 : i32
    %dma_start3A_81 = arith.constant 0 : i32
    %dma_start3A_82 = tpu.memref_slice %arg6[%dma_start3A_78, %dma_start3A_80, %dma_start3A_81] : memref<10x64x128xf32, #tpu.memory_space<vmem>> -> memref<1x64x128xf32, #tpu.memory_space<vmem>>
    %dma_start3A_83 = tpu.memref_squeeze %dma_start3A_82 : memref<1x64x128xf32, #tpu.memory_space<vmem>> -> memref<64x128xf32, #tpu.memory_space<vmem>>
    %dma_start3A_84 = arith.constant 64 : i32
    %dma_start3A_85 = tpu.memref_slice %arg5[%dma_start3A_77, %dma_start3A_84] : memref<50x128xi32, #tpu.memory_space<vmem>> -> memref<1x64xi32, #tpu.memory_space<vmem>>
    %dma_start3A_86 = tpu.memref_squeeze %dma_start3A_85 : memref<1x64xi32, #tpu.memory_space<vmem>> -> memref<64xi32, #tpu.memory_space<vmem>>
    %dma_start3A_87 = arith.constant 0 : i32
    %dma_start3A_88 = arith.constant 0 : i32
    %dma_start3A_89 = tpu.memref_slice %arg3[%dma_start3A_87, %dma_start3A_88] : memref<100000x128xf32, #tpu.memory_space<hbm>> -> memref<100000x128xf32, #tpu.memory_space<hbm>>
    %dma_start3A_90 = tpu.memref_slice %arg7[%dma_start3A_79] : memref<10x!tpu.dma_semaphore, #tpu.memory_space<semaphore_mem>> -> memref<1x!tpu.dma_semaphore, #tpu.memory_space<semaphore_mem>>
    %dma_start3A_91 = tpu.memref_squeeze %dma_start3A_90 : memref<1x!tpu.dma_semaphore, #tpu.memory_space<semaphore_mem>> -> memref<!tpu.dma_semaphore, #tpu.memory_space<semaphore_mem>>
    tpu.enqueue_indirect_dma source(%dma_start3A_89 : memref<100000x128xf32, #tpu.memory_space<hbm>>) target(%dma_start3A_83 : memref<64x128xf32, #tpu.memory_space<vmem>>) offsets(%dma_start3A_86 : memref<64xi32, #tpu.memory_space<vmem>>) semaphore(%dma_start3A_91 : memref<!tpu.dma_semaphore, #tpu.memory_space<semaphore_mem>>)
    %dma_start3A_92 = arith.constant 3 : i32
    %dma_start3A_93 = arith.constant 6 : i32
    %dma_start3A_94 = arith.constant 6 : i32
    %dma_start3A_95 = arith.constant 0 : i32
    %dma_start3A_96 = arith.constant 0 : i32
    %dma_start3A_97 = tpu.memref_slice %arg6[%dma_start3A_93, %dma_start3A_95, %dma_start3A_96] : memref<10x64x128xf32, #tpu.memory_space<vmem>> -> memref<1x64x128xf32, #tpu.memory_space<vmem>>
    %dma_start3A_98 = tpu.memref_squeeze %dma_start3A_97 : memref<1x64x128xf32, #tpu.memory_space<vmem>> -> memref<64x128xf32, #tpu.memory_space<vmem>>
    %dma_start3A_99 = arith.constant 0 : i32
    %dma_start3A_100 = tpu.memref_slice %arg5[%dma_start3A_92, %dma_start3A_99] : memref<50x128xi32, #tpu.memory_space<vmem>> -> memref<1x64xi32, #tpu.memory_space<vmem>>
    %dma_start3A_101 = tpu.memref_squeeze %dma_start3A_100 : memref<1x64xi32, #tpu.memory_space<vmem>> -> memref<64xi32, #tpu.memory_space<vmem>>
    %dma_start3A_102 = arith.constant 0 : i32
    %dma_start3A_103 = arith.constant 0 : i32
    %dma_start3A_104 = tpu.memref_slice %arg3[%dma_start3A_102, %dma_start3A_103] : memref<100000x128xf32, #tpu.memory_space<hbm>> -> memref<100000x128xf32, #tpu.memory_space<hbm>>
    %dma_start3A_105 = tpu.memref_slice %arg7[%dma_start3A_94] : memref<10x!tpu.dma_semaphore, #tpu.memory_space<semaphore_mem>> -> memref<1x!tpu.dma_semaphore, #tpu.memory_space<semaphore_mem>>
    %dma_start3A_106 = tpu.memref_squeeze %dma_start3A_105 : memref<1x!tpu.dma_semaphore, #tpu.memory_space<semaphore_mem>> -> memref<!tpu.dma_semaphore, #tpu.memory_space<semaphore_mem>>
    tpu.enqueue_indirect_dma source(%dma_start3A_104 : memref<100000x128xf32, #tpu.memory_space<hbm>>) target(%dma_start3A_98 : memref<64x128xf32, #tpu.memory_space<vmem>>) offsets(%dma_start3A_101 : memref<64xi32, #tpu.memory_space<vmem>>) semaphore(%dma_start3A_106 : memref<!tpu.dma_semaphore, #tpu.memory_space<semaphore_mem>>)
    %dma_start3A_107 = arith.constant 3 : i32
    %dma_start3A_108 = arith.constant 7 : i32
    %dma_start3A_109 = arith.constant 7 : i32
    %dma_start3A_110 = arith.constant 0 : i32
    %dma_start3A_111 = arith.constant 0 : i32
    %dma_start3A_112 = tpu.memref_slice %arg6[%dma_start3A_108, %dma_start3A_110, %dma_start3A_111] : memref<10x64x128xf32, #tpu.memory_space<vmem>> -> memref<1x64x128xf32, #tpu.memory_space<vmem>>
    %dma_start3A_113 = tpu.memref_squeeze %dma_start3A_112 : memref<1x64x128xf32, #tpu.memory_space<vmem>> -> memref<64x128xf32, #tpu.memory_space<vmem>>
    %dma_start3A_114 = arith.constant 64 : i32
    %dma_start3A_115 = tpu.memref_slice %arg5[%dma_start3A_107, %dma_start3A_114] : memref<50x128xi32, #tpu.memory_space<vmem>> -> memref<1x64xi32, #tpu.memory_space<vmem>>
    %dma_start3A_116 = tpu.memref_squeeze %dma_start3A_115 : memref<1x64xi32, #tpu.memory_space<vmem>> -> memref<64xi32, #tpu.memory_space<vmem>>
    %dma_start3A_117 = arith.constant 0 : i32
    %dma_start3A_118 = arith.constant 0 : i32
    %dma_start3A_119 = tpu.memref_slice %arg3[%dma_start3A_117, %dma_start3A_118] : memref<100000x128xf32, #tpu.memory_space<hbm>> -> memref<100000x128xf32, #tpu.memory_space<hbm>>
    %dma_start3A_120 = tpu.memref_slice %arg7[%dma_start3A_109] : memref<10x!tpu.dma_semaphore, #tpu.memory_space<semaphore_mem>> -> memref<1x!tpu.dma_semaphore, #tpu.memory_space<semaphore_mem>>
    %dma_start3A_121 = tpu.memref_squeeze %dma_start3A_120 : memref<1x!tpu.dma_semaphore, #tpu.memory_space<semaphore_mem>> -> memref<!tpu.dma_semaphore, #tpu.memory_space<semaphore_mem>>
    tpu.enqueue_indirect_dma source(%dma_start3A_119 : memref<100000x128xf32, #tpu.memory_space<hbm>>) target(%dma_start3A_113 : memref<64x128xf32, #tpu.memory_space<vmem>>) offsets(%dma_start3A_116 : memref<64xi32, #tpu.memory_space<vmem>>) semaphore(%dma_start3A_121 : memref<!tpu.dma_semaphore, #tpu.memory_space<semaphore_mem>>)
    %dma_start3A_122 = arith.constant 4 : i32
    %dma_start3A_123 = arith.constant 8 : i32
    %dma_start3A_124 = arith.constant 8 : i32
    %dma_start3A_125 = arith.constant 0 : i32
    %dma_start3A_126 = arith.constant 0 : i32
    %dma_start3A_127 = tpu.memref_slice %arg6[%dma_start3A_123, %dma_start3A_125, %dma_start3A_126] : memref<10x64x128xf32, #tpu.memory_space<vmem>> -> memref<1x64x128xf32, #tpu.memory_space<vmem>>
    %dma_start3A_128 = tpu.memref_squeeze %dma_start3A_127 : memref<1x64x128xf32, #tpu.memory_space<vmem>> -> memref<64x128xf32, #tpu.memory_space<vmem>>
    %dma_start3A_129 = arith.constant 0 : i32
    %dma_start3A_130 = tpu.memref_slice %arg5[%dma_start3A_122, %dma_start3A_129] : memref<50x128xi32, #tpu.memory_space<vmem>> -> memref<1x64xi32, #tpu.memory_space<vmem>>
    %dma_start3A_131 = tpu.memref_squeeze %dma_start3A_130 : memref<1x64xi32, #tpu.memory_space<vmem>> -> memref<64xi32, #tpu.memory_space<vmem>>
    %dma_start3A_132 = arith.constant 0 : i32
    %dma_start3A_133 = arith.constant 0 : i32
    %dma_start3A_134 = tpu.memref_slice %arg3[%dma_start3A_132, %dma_start3A_133] : memref<100000x128xf32, #tpu.memory_space<hbm>> -> memref<100000x128xf32, #tpu.memory_space<hbm>>
    %dma_start3A_135 = tpu.memref_slice %arg7[%dma_start3A_124] : memref<10x!tpu.dma_semaphore, #tpu.memory_space<semaphore_mem>> -> memref<1x!tpu.dma_semaphore, #tpu.memory_space<semaphore_mem>>
    %dma_start3A_136 = tpu.memref_squeeze %dma_start3A_135 : memref<1x!tpu.dma_semaphore, #tpu.memory_space<semaphore_mem>> -> memref<!tpu.dma_semaphore, #tpu.memory_space<semaphore_mem>>
    tpu.enqueue_indirect_dma source(%dma_start3A_134 : memref<100000x128xf32, #tpu.memory_space<hbm>>) target(%dma_start3A_128 : memref<64x128xf32, #tpu.memory_space<vmem>>) offsets(%dma_start3A_131 : memref<64xi32, #tpu.memory_space<vmem>>) semaphore(%dma_start3A_136 : memref<!tpu.dma_semaphore, #tpu.memory_space<semaphore_mem>>)
    %dma_start3A_137 = arith.constant 4 : i32
    %dma_start3A_138 = arith.constant 9 : i32
    %dma_start3A_139 = arith.constant 9 : i32
    %dma_start3A_140 = arith.constant 0 : i32
    %dma_start3A_141 = arith.constant 0 : i32
    %dma_start3A_142 = tpu.memref_slice %arg6[%dma_start3A_138, %dma_start3A_140, %dma_start3A_141] : memref<10x64x128xf32, #tpu.memory_space<vmem>> -> memref<1x64x128xf32, #tpu.memory_space<vmem>>
    %dma_start3A_143 = tpu.memref_squeeze %dma_start3A_142 : memref<1x64x128xf32, #tpu.memory_space<vmem>> -> memref<64x128xf32, #tpu.memory_space<vmem>>
    %dma_start3A_144 = arith.constant 64 : i32
    %dma_start3A_145 = tpu.memref_slice %arg5[%dma_start3A_137, %dma_start3A_144] : memref<50x128xi32, #tpu.memory_space<vmem>> -> memref<1x64xi32, #tpu.memory_space<vmem>>
    %dma_start3A_146 = tpu.memref_squeeze %dma_start3A_145 : memref<1x64xi32, #tpu.memory_space<vmem>> -> memref<64xi32, #tpu.memory_space<vmem>>
    %dma_start3A_147 = arith.constant 0 : i32
    %dma_start3A_148 = arith.constant 0 : i32
    %dma_start3A_149 = tpu.memref_slice %arg3[%dma_start3A_147, %dma_start3A_148] : memref<100000x128xf32, #tpu.memory_space<hbm>> -> memref<100000x128xf32, #tpu.memory_space<hbm>>
    %dma_start3A_150 = tpu.memref_slice %arg7[%dma_start3A_139] : memref<10x!tpu.dma_semaphore, #tpu.memory_space<semaphore_mem>> -> memref<1x!tpu.dma_semaphore, #tpu.memory_space<semaphore_mem>>
    %dma_start3A_151 = tpu.memref_squeeze %dma_start3A_150 : memref<1x!tpu.dma_semaphore, #tpu.memory_space<semaphore_mem>> -> memref<!tpu.dma_semaphore, #tpu.memory_space<semaphore_mem>>
    tpu.enqueue_indirect_dma source(%dma_start3A_149 : memref<100000x128xf32, #tpu.memory_space<hbm>>) target(%dma_start3A_143 : memref<64x128xf32, #tpu.memory_space<vmem>>) offsets(%dma_start3A_146 : memref<64xi32, #tpu.memory_space<vmem>>) semaphore(%dma_start3A_151 : memref<!tpu.dma_semaphore, #tpu.memory_space<semaphore_mem>>)
    %scan3A = arith.constant 0 : i32
    %scan3A_152 = arith.constant 10 : i32
    %scan3A_153 = arith.addi %scan3A, %scan3A_152 : i32
    %scan3A_154 = arith.constant 1 : i32
    scf.for %scan3A_156 = %scan3A to %scan3A_153 step %scan3A_154  : i32 {
      %dma_wait3A = arith.constant 0 : i32
      %dma_wait3A_157 = arith.constant 0 : i32
      %dma_wait3A_158 = arith.constant 0 : i32
      %dma_wait3A_159 = arith.constant 0 : i32
      %dma_wait3A_160 = arith.constant 0 : i32
      %dma_wait3A_161 = tpu.memref_slice %arg6[%dma_wait3A_157, %dma_wait3A_159, %dma_wait3A_160] : memref<10x64x128xf32, #tpu.memory_space<vmem>> -> memref<1x64x128xf32, #tpu.memory_space<vmem>>
      %dma_wait3A_162 = tpu.memref_squeeze %dma_wait3A_161 : memref<1x64x128xf32, #tpu.memory_space<vmem>> -> memref<64x128xf32, #tpu.memory_space<vmem>>
      %dma_wait3A_163 = arith.constant 0 : i32
      %dma_wait3A_164 = tpu.memref_slice %arg5[%dma_wait3A, %dma_wait3A_163] : memref<50x128xi32, #tpu.memory_space<vmem>> -> memref<1x64xi32, #tpu.memory_space<vmem>>
      %dma_wait3A_165 = tpu.memref_squeeze %dma_wait3A_164 : memref<1x64xi32, #tpu.memory_space<vmem>> -> memref<64xi32, #tpu.memory_space<vmem>>
      %dma_wait3A_166 = arith.constant 0 : i32
      %dma_wait3A_167 = arith.constant 0 : i32
      %dma_wait3A_168 = tpu.memref_slice %arg3[%dma_wait3A_166, %dma_wait3A_167] : memref<100000x128xf32, #tpu.memory_space<hbm>> -> memref<100000x128xf32, #tpu.memory_space<hbm>>
      %dma_wait3A_169 = tpu.memref_slice %arg7[%dma_wait3A_158] : memref<10x!tpu.dma_semaphore, #tpu.memory_space<semaphore_mem>> -> memref<1x!tpu.dma_semaphore, #tpu.memory_space<semaphore_mem>>
      %dma_wait3A_170 = tpu.memref_squeeze %dma_wait3A_169 : memref<1x!tpu.dma_semaphore, #tpu.memory_space<semaphore_mem>> -> memref<!tpu.dma_semaphore, #tpu.memory_space<semaphore_mem>>
      tpu.wait_indirect_dma semaphore(%dma_wait3A_170 : memref<!tpu.dma_semaphore, #tpu.memory_space<semaphore_mem>>) src(%dma_wait3A_168 : memref<100000x128xf32, #tpu.memory_space<hbm>>) dst(%dma_wait3A_162 : memref<64x128xf32, #tpu.memory_space<vmem>>)
      %mul3A_171 = arith.constant 10 : i32
      %mul3A_172 = arith.muli %scan3A_156, %mul3A_171 : i32
      %add3A_173 = arith.constant 0 : i32
      %add3A_174 = arith.addi %mul3A_172, %add3A_173 : i32
      %jit3A = arith.constant 2 : i32
      %div3A = arith.divsi %add3A_174, %jit3A : i32
      %sign3A = arith.constant 0 : i32
      %sign3A_175 = arith.cmpi sgt, %add3A_174, %sign3A : i32
      %sign3A_176 = arith.extui %sign3A_175 : i1 to i32
      %sign3A_177 = arith.constant 0 : i32
      %sign3A_178 = arith.cmpi slt, %add3A_174, %sign3A_177 : i32
      %sign3A_179 = arith.extui %sign3A_178 : i1 to i32
      %sign3A_180 = arith.subi %sign3A_176, %sign3A_179 : i32
      %sign3A_181 = arith.constant 0 : i32
      %sign3A_182 = arith.cmpi sgt, %jit3A, %sign3A_181 : i32
      %sign3A_183 = arith.extui %sign3A_182 : i1 to i32
      %sign3A_184 = arith.constant 0 : i32
      %sign3A_185 = arith.cmpi slt, %jit3A, %sign3A_184 : i32
      %sign3A_186 = arith.extui %sign3A_185 : i1 to i32
      %sign3A_187 = arith.subi %sign3A_183, %sign3A_186 : i32
      %ne3A = arith.cmpi ne, %sign3A_180, %sign3A_187 : i32
      %rem3A = arith.remsi %add3A_174, %jit3A : i32
      %ne3A_188 = arith.constant 0 : i32
      %ne3A_189 = arith.cmpi ne, %rem3A, %ne3A_188 : i32
      %and3A = arith.andi %ne3A, %ne3A_189 : i1
      %sub3A = arith.constant 1 : i32
      %sub3A_190 = arith.subi %div3A, %sub3A : i32
      %select_n3A = arith.select %and3A, %sub3A_190, %div3A : i32
      %jit3A_191 = arith.constant 2 : i32
      %eq3A = arith.constant 0 : i32
      %eq3A_192 = arith.cmpi eq, %jit3A_191, %eq3A : i32
      %jit3A_193 = arith.constant 1 : i32
      %select_n3A_194 = arith.select %eq3A_192, %jit3A_193, %jit3A_191 : i32
      %rem3A_195 = arith.remsi %add3A_174, %select_n3A_194 : i32
      %ne3A_196 = arith.constant 0 : i32
      %ne3A_197 = arith.cmpi ne, %rem3A_195, %ne3A_196 : i32
      %lt3A = arith.constant 0 : i32
      %lt3A_198 = arith.cmpi slt, %rem3A_195, %lt3A : i32
      %lt3A_199 = arith.constant 0 : i32
      %lt3A_200 = arith.cmpi slt, %select_n3A_194, %lt3A_199 : i32
      %ne3A_201 = arith.xori %lt3A_198, %lt3A_200 : i1
      %and3A_202 = arith.andi %ne3A_201, %ne3A_197 : i1
      %add3A_203 = arith.addi %rem3A_195, %select_n3A_194 : i32
      %select_n3A_204 = arith.select %and3A_202, %add3A_203, %rem3A_195 : i32
      %mul3A_205 = arith.constant 64 : i32
      %mul3A_206 = arith.muli %select_n3A_204, %mul3A_205 : i32
      %add3A_207 = arith.addi %mul3A_2, %mul3A_206 : i32
      %dma_start3A_208 = arith.constant 0 : i32
      %dma_start3A_209 = arith.constant 0 : i32
      %dma_start3A_210 = arith.constant 0 : i32
      %dma_start3A_211 = arith.constant 0 : i32
      %dma_start3A_212 = tpu.memref_slice %arg6[%dma_start3A_208, %dma_start3A_210, %dma_start3A_211] : memref<10x64x128xf32, #tpu.memory_space<vmem>> -> memref<1x64x128xf32, #tpu.memory_space<vmem>>
      %dma_start3A_213 = tpu.memref_squeeze %dma_start3A_212 : memref<1x64x128xf32, #tpu.memory_space<vmem>> -> memref<64x128xf32, #tpu.memory_space<vmem>>
      %dma_start3A_214 = arith.constant 0 : i32
      %dma_start3A_215 = tpu.memref_slice %arg4[%select_n3A, %add3A_207, %dma_start3A_214] : memref<50x4096x128xf32, #tpu.memory_space<hbm>> -> memref<1x64x128xf32, #tpu.memory_space<hbm>>
      %dma_start3A_216 = tpu.memref_squeeze %dma_start3A_215 : memref<1x64x128xf32, #tpu.memory_space<hbm>> -> memref<64x128xf32, #tpu.memory_space<hbm>>
      %dma_start3A_217 = tpu.memref_slice %arg8[%dma_start3A_209] : memref<10x!tpu.dma_semaphore, #tpu.memory_space<semaphore_mem>> -> memref<1x!tpu.dma_semaphore, #tpu.memory_space<semaphore_mem>>
      %dma_start3A_218 = tpu.memref_squeeze %dma_start3A_217 : memref<1x!tpu.dma_semaphore, #tpu.memory_space<semaphore_mem>> -> memref<!tpu.dma_semaphore, #tpu.memory_space<semaphore_mem>>
      %dma_start3A_219 = arith.constant 0 : i32
      %dma_start3A_220 = tpu.memref_slice %arg4[%select_n3A, %add3A_207, %dma_start3A_219] : memref<50x4096x128xf32, #tpu.memory_space<hbm>> -> memref<1x64x128xf32, #tpu.memory_space<hbm>>
      %dma_start3A_221 = tpu.memref_squeeze %dma_start3A_220 : memref<1x64x128xf32, #tpu.memory_space<hbm>> -> memref<64x128xf32, #tpu.memory_space<hbm>>
      %dma_start3A_222 = arith.constant 0 : i32
      %dma_start3A_223 = arith.constant 0 : i32
      %dma_start3A_224 = tpu.memref_slice %arg6[%dma_start3A_208, %dma_start3A_222, %dma_start3A_223] : memref<10x64x128xf32, #tpu.memory_space<vmem>> -> memref<1x64x128xf32, #tpu.memory_space<vmem>>
      %dma_start3A_225 = tpu.memref_squeeze %dma_start3A_224 : memref<1x64x128xf32, #tpu.memory_space<vmem>> -> memref<64x128xf32, #tpu.memory_space<vmem>>
      tpu.enqueue_dma source(%dma_start3A_225 : memref<64x128xf32, #tpu.memory_space<vmem>>) target(%dma_start3A_221 : memref<64x128xf32, #tpu.memory_space<hbm>>) target_semaphore(%dma_start3A_218 : memref<!tpu.dma_semaphore, #tpu.memory_space<semaphore_mem>>)
      %dma_wait3A_226 = arith.constant 0 : i32
      %dma_wait3A_227 = arith.constant 1 : i32
      %dma_wait3A_228 = arith.constant 1 : i32
      %dma_wait3A_229 = arith.constant 0 : i32
      %dma_wait3A_230 = arith.constant 0 : i32
      %dma_wait3A_231 = tpu.memref_slice %arg6[%dma_wait3A_227, %dma_wait3A_229, %dma_wait3A_230] : memref<10x64x128xf32, #tpu.memory_space<vmem>> -> memref<1x64x128xf32, #tpu.memory_space<vmem>>
      %dma_wait3A_232 = tpu.memref_squeeze %dma_wait3A_231 : memref<1x64x128xf32, #tpu.memory_space<vmem>> -> memref<64x128xf32, #tpu.memory_space<vmem>>
      %dma_wait3A_233 = arith.constant 0 : i32
      %dma_wait3A_234 = tpu.memref_slice %arg5[%dma_wait3A_226, %dma_wait3A_233] : memref<50x128xi32, #tpu.memory_space<vmem>> -> memref<1x64xi32, #tpu.memory_space<vmem>>
      %dma_wait3A_235 = tpu.memref_squeeze %dma_wait3A_234 : memref<1x64xi32, #tpu.memory_space<vmem>> -> memref<64xi32, #tpu.memory_space<vmem>>
      %dma_wait3A_236 = arith.constant 0 : i32
      %dma_wait3A_237 = arith.constant 0 : i32
      %dma_wait3A_238 = tpu.memref_slice %arg3[%dma_wait3A_236, %dma_wait3A_237] : memref<100000x128xf32, #tpu.memory_space<hbm>> -> memref<100000x128xf32, #tpu.memory_space<hbm>>
      %dma_wait3A_239 = tpu.memref_slice %arg7[%dma_wait3A_228] : memref<10x!tpu.dma_semaphore, #tpu.memory_space<semaphore_mem>> -> memref<1x!tpu.dma_semaphore, #tpu.memory_space<semaphore_mem>>
      %dma_wait3A_240 = tpu.memref_squeeze %dma_wait3A_239 : memref<1x!tpu.dma_semaphore, #tpu.memory_space<semaphore_mem>> -> memref<!tpu.dma_semaphore, #tpu.memory_space<semaphore_mem>>
      tpu.wait_indirect_dma semaphore(%dma_wait3A_240 : memref<!tpu.dma_semaphore, #tpu.memory_space<semaphore_mem>>) src(%dma_wait3A_238 : memref<100000x128xf32, #tpu.memory_space<hbm>>) dst(%dma_wait3A_232 : memref<64x128xf32, #tpu.memory_space<vmem>>)
      %mul3A_241 = arith.constant 10 : i32
      %mul3A_242 = arith.muli %scan3A_156, %mul3A_241 : i32
      %add3A_243 = arith.constant 1 : i32
      %add3A_244 = arith.addi %mul3A_242, %add3A_243 : i32
      %jit3A_245 = arith.constant 2 : i32
      %div3A_246 = arith.divsi %add3A_244, %jit3A_245 : i32
      %sign3A_247 = arith.constant 0 : i32
      %sign3A_248 = arith.cmpi sgt, %add3A_244, %sign3A_247 : i32
      %sign3A_249 = arith.extui %sign3A_248 : i1 to i32
      %sign3A_250 = arith.constant 0 : i32
      %sign3A_251 = arith.cmpi slt, %add3A_244, %sign3A_250 : i32
      %sign3A_252 = arith.extui %sign3A_251 : i1 to i32
      %sign3A_253 = arith.subi %sign3A_249, %sign3A_252 : i32
      %sign3A_254 = arith.constant 0 : i32
      %sign3A_255 = arith.cmpi sgt, %jit3A_245, %sign3A_254 : i32
      %sign3A_256 = arith.extui %sign3A_255 : i1 to i32
      %sign3A_257 = arith.constant 0 : i32
      %sign3A_258 = arith.cmpi slt, %jit3A_245, %sign3A_257 : i32
      %sign3A_259 = arith.extui %sign3A_258 : i1 to i32
      %sign3A_260 = arith.subi %sign3A_256, %sign3A_259 : i32
      %ne3A_261 = arith.cmpi ne, %sign3A_253, %sign3A_260 : i32
      %rem3A_262 = arith.remsi %add3A_244, %jit3A_245 : i32
      %ne3A_263 = arith.constant 0 : i32
      %ne3A_264 = arith.cmpi ne, %rem3A_262, %ne3A_263 : i32
      %and3A_265 = arith.andi %ne3A_261, %ne3A_264 : i1
      %sub3A_266 = arith.constant 1 : i32
      %sub3A_267 = arith.subi %div3A_246, %sub3A_266 : i32
      %select_n3A_268 = arith.select %and3A_265, %sub3A_267, %div3A_246 : i32
      %jit3A_269 = arith.constant 2 : i32
      %eq3A_270 = arith.constant 0 : i32
      %eq3A_271 = arith.cmpi eq, %jit3A_269, %eq3A_270 : i32
      %jit3A_272 = arith.constant 1 : i32
      %select_n3A_273 = arith.select %eq3A_271, %jit3A_272, %jit3A_269 : i32
      %rem3A_274 = arith.remsi %add3A_244, %select_n3A_273 : i32
      %ne3A_275 = arith.constant 0 : i32
      %ne3A_276 = arith.cmpi ne, %rem3A_274, %ne3A_275 : i32
      %lt3A_277 = arith.constant 0 : i32
      %lt3A_278 = arith.cmpi slt, %rem3A_274, %lt3A_277 : i32
      %lt3A_279 = arith.constant 0 : i32
      %lt3A_280 = arith.cmpi slt, %select_n3A_273, %lt3A_279 : i32
      %ne3A_281 = arith.xori %lt3A_278, %lt3A_280 : i1
      %and3A_282 = arith.andi %ne3A_281, %ne3A_276 : i1
      %add3A_283 = arith.addi %rem3A_274, %select_n3A_273 : i32
      %select_n3A_284 = arith.select %and3A_282, %add3A_283, %rem3A_274 : i32
      %mul3A_285 = arith.constant 64 : i32
      %mul3A_286 = arith.muli %select_n3A_284, %mul3A_285 : i32
      %add3A_287 = arith.addi %mul3A_2, %mul3A_286 : i32
      %dma_start3A_288 = arith.constant 1 : i32
      %dma_start3A_289 = arith.constant 1 : i32
      %dma_start3A_290 = arith.constant 0 : i32
      %dma_start3A_291 = arith.constant 0 : i32
      %dma_start3A_292 = tpu.memref_slice %arg6[%dma_start3A_288, %dma_start3A_290, %dma_start3A_291] : memref<10x64x128xf32, #tpu.memory_space<vmem>> -> memref<1x64x128xf32, #tpu.memory_space<vmem>>
      %dma_start3A_293 = tpu.memref_squeeze %dma_start3A_292 : memref<1x64x128xf32, #tpu.memory_space<vmem>> -> memref<64x128xf32, #tpu.memory_space<vmem>>
      %dma_start3A_294 = arith.constant 0 : i32
      %dma_start3A_295 = tpu.memref_slice %arg4[%select_n3A_268, %add3A_287, %dma_start3A_294] : memref<50x4096x128xf32, #tpu.memory_space<hbm>> -> memref<1x64x128xf32, #tpu.memory_space<hbm>>
      %dma_start3A_296 = tpu.memref_squeeze %dma_start3A_295 : memref<1x64x128xf32, #tpu.memory_space<hbm>> -> memref<64x128xf32, #tpu.memory_space<hbm>>
      %dma_start3A_297 = tpu.memref_slice %arg8[%dma_start3A_289] : memref<10x!tpu.dma_semaphore, #tpu.memory_space<semaphore_mem>> -> memref<1x!tpu.dma_semaphore, #tpu.memory_space<semaphore_mem>>
      %dma_start3A_298 = tpu.memref_squeeze %dma_start3A_297 : memref<1x!tpu.dma_semaphore, #tpu.memory_space<semaphore_mem>> -> memref<!tpu.dma_semaphore, #tpu.memory_space<semaphore_mem>>
      %dma_start3A_299 = arith.constant 0 : i32
      %dma_start3A_300 = tpu.memref_slice %arg4[%select_n3A_268, %add3A_287, %dma_start3A_299] : memref<50x4096x128xf32, #tpu.memory_space<hbm>> -> memref<1x64x128xf32, #tpu.memory_space<hbm>>
      %dma_start3A_301 = tpu.memref_squeeze %dma_start3A_300 : memref<1x64x128xf32, #tpu.memory_space<hbm>> -> memref<64x128xf32, #tpu.memory_space<hbm>>
      %dma_start3A_302 = arith.constant 0 : i32
      %dma_start3A_303 = arith.constant 0 : i32
      %dma_start3A_304 = tpu.memref_slice %arg6[%dma_start3A_288, %dma_start3A_302, %dma_start3A_303] : memref<10x64x128xf32, #tpu.memory_space<vmem>> -> memref<1x64x128xf32, #tpu.memory_space<vmem>>
      %dma_start3A_305 = tpu.memref_squeeze %dma_start3A_304 : memref<1x64x128xf32, #tpu.memory_space<vmem>> -> memref<64x128xf32, #tpu.memory_space<vmem>>
      tpu.enqueue_dma source(%dma_start3A_305 : memref<64x128xf32, #tpu.memory_space<vmem>>) target(%dma_start3A_301 : memref<64x128xf32, #tpu.memory_space<hbm>>) target_semaphore(%dma_start3A_298 : memref<!tpu.dma_semaphore, #tpu.memory_space<semaphore_mem>>)
      %dma_wait3A_306 = arith.constant 0 : i32
      %dma_wait3A_307 = arith.constant 2 : i32
      %dma_wait3A_308 = arith.constant 2 : i32
      %dma_wait3A_309 = arith.constant 0 : i32
      %dma_wait3A_310 = arith.constant 0 : i32
      %dma_wait3A_311 = tpu.memref_slice %arg6[%dma_wait3A_307, %dma_wait3A_309, %dma_wait3A_310] : memref<10x64x128xf32, #tpu.memory_space<vmem>> -> memref<1x64x128xf32, #tpu.memory_space<vmem>>
      %dma_wait3A_312 = tpu.memref_squeeze %dma_wait3A_311 : memref<1x64x128xf32, #tpu.memory_space<vmem>> -> memref<64x128xf32, #tpu.memory_space<vmem>>
      %dma_wait3A_313 = arith.constant 0 : i32
      %dma_wait3A_314 = tpu.memref_slice %arg5[%dma_wait3A_306, %dma_wait3A_313] : memref<50x128xi32, #tpu.memory_space<vmem>> -> memref<1x64xi32, #tpu.memory_space<vmem>>
      %dma_wait3A_315 = tpu.memref_squeeze %dma_wait3A_314 : memref<1x64xi32, #tpu.memory_space<vmem>> -> memref<64xi32, #tpu.memory_space<vmem>>
      %dma_wait3A_316 = arith.constant 0 : i32
      %dma_wait3A_317 = arith.constant 0 : i32
      %dma_wait3A_318 = tpu.memref_slice %arg3[%dma_wait3A_316, %dma_wait3A_317] : memref<100000x128xf32, #tpu.memory_space<hbm>> -> memref<100000x128xf32, #tpu.memory_space<hbm>>
      %dma_wait3A_319 = tpu.memref_slice %arg7[%dma_wait3A_308] : memref<10x!tpu.dma_semaphore, #tpu.memory_space<semaphore_mem>> -> memref<1x!tpu.dma_semaphore, #tpu.memory_space<semaphore_mem>>
      %dma_wait3A_320 = tpu.memref_squeeze %dma_wait3A_319 : memref<1x!tpu.dma_semaphore, #tpu.memory_space<semaphore_mem>> -> memref<!tpu.dma_semaphore, #tpu.memory_space<semaphore_mem>>
      tpu.wait_indirect_dma semaphore(%dma_wait3A_320 : memref<!tpu.dma_semaphore, #tpu.memory_space<semaphore_mem>>) src(%dma_wait3A_318 : memref<100000x128xf32, #tpu.memory_space<hbm>>) dst(%dma_wait3A_312 : memref<64x128xf32, #tpu.memory_space<vmem>>)
      %mul3A_321 = arith.constant 10 : i32
      %mul3A_322 = arith.muli %scan3A_156, %mul3A_321 : i32
      %add3A_323 = arith.constant 2 : i32
      %add3A_324 = arith.addi %mul3A_322, %add3A_323 : i32
      %jit3A_325 = arith.constant 2 : i32
      %div3A_326 = arith.divsi %add3A_324, %jit3A_325 : i32
      %sign3A_327 = arith.constant 0 : i32
      %sign3A_328 = arith.cmpi sgt, %add3A_324, %sign3A_327 : i32
      %sign3A_329 = arith.extui %sign3A_328 : i1 to i32
      %sign3A_330 = arith.constant 0 : i32
      %sign3A_331 = arith.cmpi slt, %add3A_324, %sign3A_330 : i32
      %sign3A_332 = arith.extui %sign3A_331 : i1 to i32
      %sign3A_333 = arith.subi %sign3A_329, %sign3A_332 : i32
      %sign3A_334 = arith.constant 0 : i32
      %sign3A_335 = arith.cmpi sgt, %jit3A_325, %sign3A_334 : i32
      %sign3A_336 = arith.extui %sign3A_335 : i1 to i32
      %sign3A_337 = arith.constant 0 : i32
      %sign3A_338 = arith.cmpi slt, %jit3A_325, %sign3A_337 : i32
      %sign3A_339 = arith.extui %sign3A_338 : i1 to i32
      %sign3A_340 = arith.subi %sign3A_336, %sign3A_339 : i32
      %ne3A_341 = arith.cmpi ne, %sign3A_333, %sign3A_340 : i32
      %rem3A_342 = arith.remsi %add3A_324, %jit3A_325 : i32
      %ne3A_343 = arith.constant 0 : i32
      %ne3A_344 = arith.cmpi ne, %rem3A_342, %ne3A_343 : i32
      %and3A_345 = arith.andi %ne3A_341, %ne3A_344 : i1
      %sub3A_346 = arith.constant 1 : i32
      %sub3A_347 = arith.subi %div3A_326, %sub3A_346 : i32
      %select_n3A_348 = arith.select %and3A_345, %sub3A_347, %div3A_326 : i32
      %jit3A_349 = arith.constant 2 : i32
      %eq3A_350 = arith.constant 0 : i32
      %eq3A_351 = arith.cmpi eq, %jit3A_349, %eq3A_350 : i32
      %jit3A_352 = arith.constant 1 : i32
      %select_n3A_353 = arith.select %eq3A_351, %jit3A_352, %jit3A_349 : i32
      %rem3A_354 = arith.remsi %add3A_324, %select_n3A_353 : i32
      %ne3A_355 = arith.constant 0 : i32
      %ne3A_356 = arith.cmpi ne, %rem3A_354, %ne3A_355 : i32
      %lt3A_357 = arith.constant 0 : i32
      %lt3A_358 = arith.cmpi slt, %rem3A_354, %lt3A_357 : i32
      %lt3A_359 = arith.constant 0 : i32
      %lt3A_360 = arith.cmpi slt, %select_n3A_353, %lt3A_359 : i32
      %ne3A_361 = arith.xori %lt3A_358, %lt3A_360 : i1
      %and3A_362 = arith.andi %ne3A_361, %ne3A_356 : i1
      %add3A_363 = arith.addi %rem3A_354, %select_n3A_353 : i32
      %select_n3A_364 = arith.select %and3A_362, %add3A_363, %rem3A_354 : i32
      %mul3A_365 = arith.constant 64 : i32
      %mul3A_366 = arith.muli %select_n3A_364, %mul3A_365 : i32
      %add3A_367 = arith.addi %mul3A_2, %mul3A_366 : i32
      %dma_start3A_368 = arith.constant 2 : i32
      %dma_start3A_369 = arith.constant 2 : i32
      %dma_start3A_370 = arith.constant 0 : i32
      %dma_start3A_371 = arith.constant 0 : i32
      %dma_start3A_372 = tpu.memref_slice %arg6[%dma_start3A_368, %dma_start3A_370, %dma_start3A_371] : memref<10x64x128xf32, #tpu.memory_space<vmem>> -> memref<1x64x128xf32, #tpu.memory_space<vmem>>
      %dma_start3A_373 = tpu.memref_squeeze %dma_start3A_372 : memref<1x64x128xf32, #tpu.memory_space<vmem>> -> memref<64x128xf32, #tpu.memory_space<vmem>>
      %dma_start3A_374 = arith.constant 0 : i32
      %dma_start3A_375 = tpu.memref_slice %arg4[%select_n3A_348, %add3A_367, %dma_start3A_374] : memref<50x4096x128xf32, #tpu.memory_space<hbm>> -> memref<1x64x128xf32, #tpu.memory_space<hbm>>
      %dma_start3A_376 = tpu.memref_squeeze %dma_start3A_375 : memref<1x64x128xf32, #tpu.memory_space<hbm>> -> memref<64x128xf32, #tpu.memory_space<hbm>>
      %dma_start3A_377 = tpu.memref_slice %arg8[%dma_start3A_369] : memref<10x!tpu.dma_semaphore, #tpu.memory_space<semaphore_mem>> -> memref<1x!tpu.dma_semaphore, #tpu.memory_space<semaphore_mem>>
      %dma_start3A_378 = tpu.memref_squeeze %dma_start3A_377 : memref<1x!tpu.dma_semaphore, #tpu.memory_space<semaphore_mem>> -> memref<!tpu.dma_semaphore, #tpu.memory_space<semaphore_mem>>
      %dma_start3A_379 = arith.constant 0 : i32
      %dma_start3A_380 = tpu.memref_slice %arg4[%select_n3A_348, %add3A_367, %dma_start3A_379] : memref<50x4096x128xf32, #tpu.memory_space<hbm>> -> memref<1x64x128xf32, #tpu.memory_space<hbm>>
      %dma_start3A_381 = tpu.memref_squeeze %dma_start3A_380 : memref<1x64x128xf32, #tpu.memory_space<hbm>> -> memref<64x128xf32, #tpu.memory_space<hbm>>
      %dma_start3A_382 = arith.constant 0 : i32
      %dma_start3A_383 = arith.constant 0 : i32
      %dma_start3A_384 = tpu.memref_slice %arg6[%dma_start3A_368, %dma_start3A_382, %dma_start3A_383] : memref<10x64x128xf32, #tpu.memory_space<vmem>> -> memref<1x64x128xf32, #tpu.memory_space<vmem>>
      %dma_start3A_385 = tpu.memref_squeeze %dma_start3A_384 : memref<1x64x128xf32, #tpu.memory_space<vmem>> -> memref<64x128xf32, #tpu.memory_space<vmem>>
      tpu.enqueue_dma source(%dma_start3A_385 : memref<64x128xf32, #tpu.memory_space<vmem>>) target(%dma_start3A_381 : memref<64x128xf32, #tpu.memory_space<hbm>>) target_semaphore(%dma_start3A_378 : memref<!tpu.dma_semaphore, #tpu.memory_space<semaphore_mem>>)
      %dma_wait3A_386 = arith.constant 0 : i32
      %dma_wait3A_387 = arith.constant 3 : i32
      %dma_wait3A_388 = arith.constant 3 : i32
      %dma_wait3A_389 = arith.constant 0 : i32
      %dma_wait3A_390 = arith.constant 0 : i32
      %dma_wait3A_391 = tpu.memref_slice %arg6[%dma_wait3A_387, %dma_wait3A_389, %dma_wait3A_390] : memref<10x64x128xf32, #tpu.memory_space<vmem>> -> memref<1x64x128xf32, #tpu.memory_space<vmem>>
      %dma_wait3A_392 = tpu.memref_squeeze %dma_wait3A_391 : memref<1x64x128xf32, #tpu.memory_space<vmem>> -> memref<64x128xf32, #tpu.memory_space<vmem>>
      %dma_wait3A_393 = arith.constant 0 : i32
      %dma_wait3A_394 = tpu.memref_slice %arg5[%dma_wait3A_386, %dma_wait3A_393] : memref<50x128xi32, #tpu.memory_space<vmem>> -> memref<1x64xi32, #tpu.memory_space<vmem>>
      %dma_wait3A_395 = tpu.memref_squeeze %dma_wait3A_394 : memref<1x64xi32, #tpu.memory_space<vmem>> -> memref<64xi32, #tpu.memory_space<vmem>>
      %dma_wait3A_396 = arith.constant 0 : i32
      %dma_wait3A_397 = arith.constant 0 : i32
      %dma_wait3A_398 = tpu.memref_slice %arg3[%dma_wait3A_396, %dma_wait3A_397] : memref<100000x128xf32, #tpu.memory_space<hbm>> -> memref<100000x128xf32, #tpu.memory_space<hbm>>
      %dma_wait3A_399 = tpu.memref_slice %arg7[%dma_wait3A_388] : memref<10x!tpu.dma_semaphore, #tpu.memory_space<semaphore_mem>> -> memref<1x!tpu.dma_semaphore, #tpu.memory_space<semaphore_mem>>
      %dma_wait3A_400 = tpu.memref_squeeze %dma_wait3A_399 : memref<1x!tpu.dma_semaphore, #tpu.memory_space<semaphore_mem>> -> memref<!tpu.dma_semaphore, #tpu.memory_space<semaphore_mem>>
      tpu.wait_indirect_dma semaphore(%dma_wait3A_400 : memref<!tpu.dma_semaphore, #tpu.memory_space<semaphore_mem>>) src(%dma_wait3A_398 : memref<100000x128xf32, #tpu.memory_space<hbm>>) dst(%dma_wait3A_392 : memref<64x128xf32, #tpu.memory_space<vmem>>)
      %mul3A_401 = arith.constant 10 : i32
      %mul3A_402 = arith.muli %scan3A_156, %mul3A_401 : i32
      %add3A_403 = arith.constant 3 : i32
      %add3A_404 = arith.addi %mul3A_402, %add3A_403 : i32
      %jit3A_405 = arith.constant 2 : i32
      %div3A_406 = arith.divsi %add3A_404, %jit3A_405 : i32
      %sign3A_407 = arith.constant 0 : i32
      %sign3A_408 = arith.cmpi sgt, %add3A_404, %sign3A_407 : i32
      %sign3A_409 = arith.extui %sign3A_408 : i1 to i32
      %sign3A_410 = arith.constant 0 : i32
      %sign3A_411 = arith.cmpi slt, %add3A_404, %sign3A_410 : i32
      %sign3A_412 = arith.extui %sign3A_411 : i1 to i32
      %sign3A_413 = arith.subi %sign3A_409, %sign3A_412 : i32
      %sign3A_414 = arith.constant 0 : i32
      %sign3A_415 = arith.cmpi sgt, %jit3A_405, %sign3A_414 : i32
      %sign3A_416 = arith.extui %sign3A_415 : i1 to i32
      %sign3A_417 = arith.constant 0 : i32
      %sign3A_418 = arith.cmpi slt, %jit3A_405, %sign3A_417 : i32
      %sign3A_419 = arith.extui %sign3A_418 : i1 to i32
      %sign3A_420 = arith.subi %sign3A_416, %sign3A_419 : i32
      %ne3A_421 = arith.cmpi ne, %sign3A_413, %sign3A_420 : i32
      %rem3A_422 = arith.remsi %add3A_404, %jit3A_405 : i32
      %ne3A_423 = arith.constant 0 : i32
      %ne3A_424 = arith.cmpi ne, %rem3A_422, %ne3A_423 : i32
      %and3A_425 = arith.andi %ne3A_421, %ne3A_424 : i1
      %sub3A_426 = arith.constant 1 : i32
      %sub3A_427 = arith.subi %div3A_406, %sub3A_426 : i32
      %select_n3A_428 = arith.select %and3A_425, %sub3A_427, %div3A_406 : i32
      %jit3A_429 = arith.constant 2 : i32
      %eq3A_430 = arith.constant 0 : i32
      %eq3A_431 = arith.cmpi eq, %jit3A_429, %eq3A_430 : i32
      %jit3A_432 = arith.constant 1 : i32
      %select_n3A_433 = arith.select %eq3A_431, %jit3A_432, %jit3A_429 : i32
      %rem3A_434 = arith.remsi %add3A_404, %select_n3A_433 : i32
      %ne3A_435 = arith.constant 0 : i32
      %ne3A_436 = arith.cmpi ne, %rem3A_434, %ne3A_435 : i32
      %lt3A_437 = arith.constant 0 : i32
      %lt3A_438 = arith.cmpi slt, %rem3A_434, %lt3A_437 : i32
      %lt3A_439 = arith.constant 0 : i32
      %lt3A_440 = arith.cmpi slt, %select_n3A_433, %lt3A_439 : i32
      %ne3A_441 = arith.xori %lt3A_438, %lt3A_440 : i1
      %and3A_442 = arith.andi %ne3A_441, %ne3A_436 : i1
      %add3A_443 = arith.addi %rem3A_434, %select_n3A_433 : i32
      %select_n3A_444 = arith.select %and3A_442, %add3A_443, %rem3A_434 : i32
      %mul3A_445 = arith.constant 64 : i32
      %mul3A_446 = arith.muli %select_n3A_444, %mul3A_445 : i32
      %add3A_447 = arith.addi %mul3A_2, %mul3A_446 : i32
      %dma_start3A_448 = arith.constant 3 : i32
      %dma_start3A_449 = arith.constant 3 : i32
      %dma_start3A_450 = arith.constant 0 : i32
      %dma_start3A_451 = arith.constant 0 : i32
      %dma_start3A_452 = tpu.memref_slice %arg6[%dma_start3A_448, %dma_start3A_450, %dma_start3A_451] : memref<10x64x128xf32, #tpu.memory_space<vmem>> -> memref<1x64x128xf32, #tpu.memory_space<vmem>>
      %dma_start3A_453 = tpu.memref_squeeze %dma_start3A_452 : memref<1x64x128xf32, #tpu.memory_space<vmem>> -> memref<64x128xf32, #tpu.memory_space<vmem>>
      %dma_start3A_454 = arith.constant 0 : i32
      %dma_start3A_455 = tpu.memref_slice %arg4[%select_n3A_428, %add3A_447, %dma_start3A_454] : memref<50x4096x128xf32, #tpu.memory_space<hbm>> -> memref<1x64x128xf32, #tpu.memory_space<hbm>>
      %dma_start3A_456 = tpu.memref_squeeze %dma_start3A_455 : memref<1x64x128xf32, #tpu.memory_space<hbm>> -> memref<64x128xf32, #tpu.memory_space<hbm>>
      %dma_start3A_457 = tpu.memref_slice %arg8[%dma_start3A_449] : memref<10x!tpu.dma_semaphore, #tpu.memory_space<semaphore_mem>> -> memref<1x!tpu.dma_semaphore, #tpu.memory_space<semaphore_mem>>
      %dma_start3A_458 = tpu.memref_squeeze %dma_start3A_457 : memref<1x!tpu.dma_semaphore, #tpu.memory_space<semaphore_mem>> -> memref<!tpu.dma_semaphore, #tpu.memory_space<semaphore_mem>>
      %dma_start3A_459 = arith.constant 0 : i32
      %dma_start3A_460 = tpu.memref_slice %arg4[%select_n3A_428, %add3A_447, %dma_start3A_459] : memref<50x4096x128xf32, #tpu.memory_space<hbm>> -> memref<1x64x128xf32, #tpu.memory_space<hbm>>
      %dma_start3A_461 = tpu.memref_squeeze %dma_start3A_460 : memref<1x64x128xf32, #tpu.memory_space<hbm>> -> memref<64x128xf32, #tpu.memory_space<hbm>>
      %dma_start3A_462 = arith.constant 0 : i32
      %dma_start3A_463 = arith.constant 0 : i32
      %dma_start3A_464 = tpu.memref_slice %arg6[%dma_start3A_448, %dma_start3A_462, %dma_start3A_463] : memref<10x64x128xf32, #tpu.memory_space<vmem>> -> memref<1x64x128xf32, #tpu.memory_space<vmem>>
      %dma_start3A_465 = tpu.memref_squeeze %dma_start3A_464 : memref<1x64x128xf32, #tpu.memory_space<vmem>> -> memref<64x128xf32, #tpu.memory_space<vmem>>
      tpu.enqueue_dma source(%dma_start3A_465 : memref<64x128xf32, #tpu.memory_space<vmem>>) target(%dma_start3A_461 : memref<64x128xf32, #tpu.memory_space<hbm>>) target_semaphore(%dma_start3A_458 : memref<!tpu.dma_semaphore, #tpu.memory_space<semaphore_mem>>)
      %dma_wait3A_466 = arith.constant 0 : i32
      %dma_wait3A_467 = arith.constant 4 : i32
      %dma_wait3A_468 = arith.constant 4 : i32
      %dma_wait3A_469 = arith.constant 0 : i32
      %dma_wait3A_470 = arith.constant 0 : i32
      %dma_wait3A_471 = tpu.memref_slice %arg6[%dma_wait3A_467, %dma_wait3A_469, %dma_wait3A_470] : memref<10x64x128xf32, #tpu.memory_space<vmem>> -> memref<1x64x128xf32, #tpu.memory_space<vmem>>
      %dma_wait3A_472 = tpu.memref_squeeze %dma_wait3A_471 : memref<1x64x128xf32, #tpu.memory_space<vmem>> -> memref<64x128xf32, #tpu.memory_space<vmem>>
      %dma_wait3A_473 = arith.constant 0 : i32
      %dma_wait3A_474 = tpu.memref_slice %arg5[%dma_wait3A_466, %dma_wait3A_473] : memref<50x128xi32, #tpu.memory_space<vmem>> -> memref<1x64xi32, #tpu.memory_space<vmem>>
      %dma_wait3A_475 = tpu.memref_squeeze %dma_wait3A_474 : memref<1x64xi32, #tpu.memory_space<vmem>> -> memref<64xi32, #tpu.memory_space<vmem>>
      %dma_wait3A_476 = arith.constant 0 : i32
      %dma_wait3A_477 = arith.constant 0 : i32
      %dma_wait3A_478 = tpu.memref_slice %arg3[%dma_wait3A_476, %dma_wait3A_477] : memref<100000x128xf32, #tpu.memory_space<hbm>> -> memref<100000x128xf32, #tpu.memory_space<hbm>>
      %dma_wait3A_479 = tpu.memref_slice %arg7[%dma_wait3A_468] : memref<10x!tpu.dma_semaphore, #tpu.memory_space<semaphore_mem>> -> memref<1x!tpu.dma_semaphore, #tpu.memory_space<semaphore_mem>>
      %dma_wait3A_480 = tpu.memref_squeeze %dma_wait3A_479 : memref<1x!tpu.dma_semaphore, #tpu.memory_space<semaphore_mem>> -> memref<!tpu.dma_semaphore, #tpu.memory_space<semaphore_mem>>
      tpu.wait_indirect_dma semaphore(%dma_wait3A_480 : memref<!tpu.dma_semaphore, #tpu.memory_space<semaphore_mem>>) src(%dma_wait3A_478 : memref<100000x128xf32, #tpu.memory_space<hbm>>) dst(%dma_wait3A_472 : memref<64x128xf32, #tpu.memory_space<vmem>>)
      %mul3A_481 = arith.constant 10 : i32
      %mul3A_482 = arith.muli %scan3A_156, %mul3A_481 : i32
      %add3A_483 = arith.constant 4 : i32
      %add3A_484 = arith.addi %mul3A_482, %add3A_483 : i32
      %jit3A_485 = arith.constant 2 : i32
      %div3A_486 = arith.divsi %add3A_484, %jit3A_485 : i32
      %sign3A_487 = arith.constant 0 : i32
      %sign3A_488 = arith.cmpi sgt, %add3A_484, %sign3A_487 : i32
      %sign3A_489 = arith.extui %sign3A_488 : i1 to i32
      %sign3A_490 = arith.constant 0 : i32
      %sign3A_491 = arith.cmpi slt, %add3A_484, %sign3A_490 : i32
      %sign3A_492 = arith.extui %sign3A_491 : i1 to i32
      %sign3A_493 = arith.subi %sign3A_489, %sign3A_492 : i32
      %sign3A_494 = arith.constant 0 : i32
      %sign3A_495 = arith.cmpi sgt, %jit3A_485, %sign3A_494 : i32
      %sign3A_496 = arith.extui %sign3A_495 : i1 to i32
      %sign3A_497 = arith.constant 0 : i32
      %sign3A_498 = arith.cmpi slt, %jit3A_485, %sign3A_497 : i32
      %sign3A_499 = arith.extui %sign3A_498 : i1 to i32
      %sign3A_500 = arith.subi %sign3A_496, %sign3A_499 : i32
      %ne3A_501 = arith.cmpi ne, %sign3A_493, %sign3A_500 : i32
      %rem3A_502 = arith.remsi %add3A_484, %jit3A_485 : i32
      %ne3A_503 = arith.constant 0 : i32
      %ne3A_504 = arith.cmpi ne, %rem3A_502, %ne3A_503 : i32
      %and3A_505 = arith.andi %ne3A_501, %ne3A_504 : i1
      %sub3A_506 = arith.constant 1 : i32
      %sub3A_507 = arith.subi %div3A_486, %sub3A_506 : i32
      %select_n3A_508 = arith.select %and3A_505, %sub3A_507, %div3A_486 : i32
      %jit3A_509 = arith.constant 2 : i32
      %eq3A_510 = arith.constant 0 : i32
      %eq3A_511 = arith.cmpi eq, %jit3A_509, %eq3A_510 : i32
      %jit3A_512 = arith.constant 1 : i32
      %select_n3A_513 = arith.select %eq3A_511, %jit3A_512, %jit3A_509 : i32
      %rem3A_514 = arith.remsi %add3A_484, %select_n3A_513 : i32
      %ne3A_515 = arith.constant 0 : i32
      %ne3A_516 = arith.cmpi ne, %rem3A_514, %ne3A_515 : i32
      %lt3A_517 = arith.constant 0 : i32
      %lt3A_518 = arith.cmpi slt, %rem3A_514, %lt3A_517 : i32
      %lt3A_519 = arith.constant 0 : i32
      %lt3A_520 = arith.cmpi slt, %select_n3A_513, %lt3A_519 : i32
      %ne3A_521 = arith.xori %lt3A_518, %lt3A_520 : i1
      %and3A_522 = arith.andi %ne3A_521, %ne3A_516 : i1
      %add3A_523 = arith.addi %rem3A_514, %select_n3A_513 : i32
      %select_n3A_524 = arith.select %and3A_522, %add3A_523, %rem3A_514 : i32
      %mul3A_525 = arith.constant 64 : i32
      %mul3A_526 = arith.muli %select_n3A_524, %mul3A_525 : i32
      %add3A_527 = arith.addi %mul3A_2, %mul3A_526 : i32
      %dma_start3A_528 = arith.constant 4 : i32
      %dma_start3A_529 = arith.constant 4 : i32
      %dma_start3A_530 = arith.constant 0 : i32
      %dma_start3A_531 = arith.constant 0 : i32
      %dma_start3A_532 = tpu.memref_slice %arg6[%dma_start3A_528, %dma_start3A_530, %dma_start3A_531] : memref<10x64x128xf32, #tpu.memory_space<vmem>> -> memref<1x64x128xf32, #tpu.memory_space<vmem>>
      %dma_start3A_533 = tpu.memref_squeeze %dma_start3A_532 : memref<1x64x128xf32, #tpu.memory_space<vmem>> -> memref<64x128xf32, #tpu.memory_space<vmem>>
      %dma_start3A_534 = arith.constant 0 : i32
      %dma_start3A_535 = tpu.memref_slice %arg4[%select_n3A_508, %add3A_527, %dma_start3A_534] : memref<50x4096x128xf32, #tpu.memory_space<hbm>> -> memref<1x64x128xf32, #tpu.memory_space<hbm>>
      %dma_start3A_536 = tpu.memref_squeeze %dma_start3A_535 : memref<1x64x128xf32, #tpu.memory_space<hbm>> -> memref<64x128xf32, #tpu.memory_space<hbm>>
      %dma_start3A_537 = tpu.memref_slice %arg8[%dma_start3A_529] : memref<10x!tpu.dma_semaphore, #tpu.memory_space<semaphore_mem>> -> memref<1x!tpu.dma_semaphore, #tpu.memory_space<semaphore_mem>>
      %dma_start3A_538 = tpu.memref_squeeze %dma_start3A_537 : memref<1x!tpu.dma_semaphore, #tpu.memory_space<semaphore_mem>> -> memref<!tpu.dma_semaphore, #tpu.memory_space<semaphore_mem>>
      %dma_start3A_539 = arith.constant 0 : i32
      %dma_start3A_540 = tpu.memref_slice %arg4[%select_n3A_508, %add3A_527, %dma_start3A_539] : memref<50x4096x128xf32, #tpu.memory_space<hbm>> -> memref<1x64x128xf32, #tpu.memory_space<hbm>>
      %dma_start3A_541 = tpu.memref_squeeze %dma_start3A_540 : memref<1x64x128xf32, #tpu.memory_space<hbm>> -> memref<64x128xf32, #tpu.memory_space<hbm>>
      %dma_start3A_542 = arith.constant 0 : i32
      %dma_start3A_543 = arith.constant 0 : i32
      %dma_start3A_544 = tpu.memref_slice %arg6[%dma_start3A_528, %dma_start3A_542, %dma_start3A_543] : memref<10x64x128xf32, #tpu.memory_space<vmem>> -> memref<1x64x128xf32, #tpu.memory_space<vmem>>
      %dma_start3A_545 = tpu.memref_squeeze %dma_start3A_544 : memref<1x64x128xf32, #tpu.memory_space<vmem>> -> memref<64x128xf32, #tpu.memory_space<vmem>>
      tpu.enqueue_dma source(%dma_start3A_545 : memref<64x128xf32, #tpu.memory_space<vmem>>) target(%dma_start3A_541 : memref<64x128xf32, #tpu.memory_space<hbm>>) target_semaphore(%dma_start3A_538 : memref<!tpu.dma_semaphore, #tpu.memory_space<semaphore_mem>>)
      %dma_wait3A_546 = arith.constant 0 : i32
      %dma_wait3A_547 = arith.constant 5 : i32
      %dma_wait3A_548 = arith.constant 5 : i32
      %dma_wait3A_549 = arith.constant 0 : i32
      %dma_wait3A_550 = arith.constant 0 : i32
      %dma_wait3A_551 = tpu.memref_slice %arg6[%dma_wait3A_547, %dma_wait3A_549, %dma_wait3A_550] : memref<10x64x128xf32, #tpu.memory_space<vmem>> -> memref<1x64x128xf32, #tpu.memory_space<vmem>>
      %dma_wait3A_552 = tpu.memref_squeeze %dma_wait3A_551 : memref<1x64x128xf32, #tpu.memory_space<vmem>> -> memref<64x128xf32, #tpu.memory_space<vmem>>
      %dma_wait3A_553 = arith.constant 0 : i32
      %dma_wait3A_554 = tpu.memref_slice %arg5[%dma_wait3A_546, %dma_wait3A_553] : memref<50x128xi32, #tpu.memory_space<vmem>> -> memref<1x64xi32, #tpu.memory_space<vmem>>
      %dma_wait3A_555 = tpu.memref_squeeze %dma_wait3A_554 : memref<1x64xi32, #tpu.memory_space<vmem>> -> memref<64xi32, #tpu.memory_space<vmem>>
      %dma_wait3A_556 = arith.constant 0 : i32
      %dma_wait3A_557 = arith.constant 0 : i32
      %dma_wait3A_558 = tpu.memref_slice %arg3[%dma_wait3A_556, %dma_wait3A_557] : memref<100000x128xf32, #tpu.memory_space<hbm>> -> memref<100000x128xf32, #tpu.memory_space<hbm>>
      %dma_wait3A_559 = tpu.memref_slice %arg7[%dma_wait3A_548] : memref<10x!tpu.dma_semaphore, #tpu.memory_space<semaphore_mem>> -> memref<1x!tpu.dma_semaphore, #tpu.memory_space<semaphore_mem>>
      %dma_wait3A_560 = tpu.memref_squeeze %dma_wait3A_559 : memref<1x!tpu.dma_semaphore, #tpu.memory_space<semaphore_mem>> -> memref<!tpu.dma_semaphore, #tpu.memory_space<semaphore_mem>>
      tpu.wait_indirect_dma semaphore(%dma_wait3A_560 : memref<!tpu.dma_semaphore, #tpu.memory_space<semaphore_mem>>) src(%dma_wait3A_558 : memref<100000x128xf32, #tpu.memory_space<hbm>>) dst(%dma_wait3A_552 : memref<64x128xf32, #tpu.memory_space<vmem>>)
      %mul3A_561 = arith.constant 10 : i32
      %mul3A_562 = arith.muli %scan3A_156, %mul3A_561 : i32
      %add3A_563 = arith.constant 5 : i32
      %add3A_564 = arith.addi %mul3A_562, %add3A_563 : i32
      %jit3A_565 = arith.constant 2 : i32
      %div3A_566 = arith.divsi %add3A_564, %jit3A_565 : i32
      %sign3A_567 = arith.constant 0 : i32
      %sign3A_568 = arith.cmpi sgt, %add3A_564, %sign3A_567 : i32
      %sign3A_569 = arith.extui %sign3A_568 : i1 to i32
      %sign3A_570 = arith.constant 0 : i32
      %sign3A_571 = arith.cmpi slt, %add3A_564, %sign3A_570 : i32
      %sign3A_572 = arith.extui %sign3A_571 : i1 to i32
      %sign3A_573 = arith.subi %sign3A_569, %sign3A_572 : i32
      %sign3A_574 = arith.constant 0 : i32
      %sign3A_575 = arith.cmpi sgt, %jit3A_565, %sign3A_574 : i32
      %sign3A_576 = arith.extui %sign3A_575 : i1 to i32
      %sign3A_577 = arith.constant 0 : i32
      %sign3A_578 = arith.cmpi slt, %jit3A_565, %sign3A_577 : i32
      %sign3A_579 = arith.extui %sign3A_578 : i1 to i32
      %sign3A_580 = arith.subi %sign3A_576, %sign3A_579 : i32
      %ne3A_581 = arith.cmpi ne, %sign3A_573, %sign3A_580 : i32
      %rem3A_582 = arith.remsi %add3A_564, %jit3A_565 : i32
      %ne3A_583 = arith.constant 0 : i32
      %ne3A_584 = arith.cmpi ne, %rem3A_582, %ne3A_583 : i32
      %and3A_585 = arith.andi %ne3A_581, %ne3A_584 : i1
      %sub3A_586 = arith.constant 1 : i32
      %sub3A_587 = arith.subi %div3A_566, %sub3A_586 : i32
      %select_n3A_588 = arith.select %and3A_585, %sub3A_587, %div3A_566 : i32
      %jit3A_589 = arith.constant 2 : i32
      %eq3A_590 = arith.constant 0 : i32
      %eq3A_591 = arith.cmpi eq, %jit3A_589, %eq3A_590 : i32
      %jit3A_592 = arith.constant 1 : i32
      %select_n3A_593 = arith.select %eq3A_591, %jit3A_592, %jit3A_589 : i32
      %rem3A_594 = arith.remsi %add3A_564, %select_n3A_593 : i32
      %ne3A_595 = arith.constant 0 : i32
      %ne3A_596 = arith.cmpi ne, %rem3A_594, %ne3A_595 : i32
      %lt3A_597 = arith.constant 0 : i32
      %lt3A_598 = arith.cmpi slt, %rem3A_594, %lt3A_597 : i32
      %lt3A_599 = arith.constant 0 : i32
      %lt3A_600 = arith.cmpi slt, %select_n3A_593, %lt3A_599 : i32
      %ne3A_601 = arith.xori %lt3A_598, %lt3A_600 : i1
      %and3A_602 = arith.andi %ne3A_601, %ne3A_596 : i1
      %add3A_603 = arith.addi %rem3A_594, %select_n3A_593 : i32
      %select_n3A_604 = arith.select %and3A_602, %add3A_603, %rem3A_594 : i32
      %mul3A_605 = arith.constant 64 : i32
      %mul3A_606 = arith.muli %select_n3A_604, %mul3A_605 : i32
      %add3A_607 = arith.addi %mul3A_2, %mul3A_606 : i32
      %dma_start3A_608 = arith.constant 5 : i32
      %dma_start3A_609 = arith.constant 5 : i32
      %dma_start3A_610 = arith.constant 0 : i32
      %dma_start3A_611 = arith.constant 0 : i32
      %dma_start3A_612 = tpu.memref_slice %arg6[%dma_start3A_608, %dma_start3A_610, %dma_start3A_611] : memref<10x64x128xf32, #tpu.memory_space<vmem>> -> memref<1x64x128xf32, #tpu.memory_space<vmem>>
      %dma_start3A_613 = tpu.memref_squeeze %dma_start3A_612 : memref<1x64x128xf32, #tpu.memory_space<vmem>> -> memref<64x128xf32, #tpu.memory_space<vmem>>
      %dma_start3A_614 = arith.constant 0 : i32
      %dma_start3A_615 = tpu.memref_slice %arg4[%select_n3A_588, %add3A_607, %dma_start3A_614] : memref<50x4096x128xf32, #tpu.memory_space<hbm>> -> memref<1x64x128xf32, #tpu.memory_space<hbm>>
      %dma_start3A_616 = tpu.memref_squeeze %dma_start3A_615 : memref<1x64x128xf32, #tpu.memory_space<hbm>> -> memref<64x128xf32, #tpu.memory_space<hbm>>
      %dma_start3A_617 = tpu.memref_slice %arg8[%dma_start3A_609] : memref<10x!tpu.dma_semaphore, #tpu.memory_space<semaphore_mem>> -> memref<1x!tpu.dma_semaphore, #tpu.memory_space<semaphore_mem>>
      %dma_start3A_618 = tpu.memref_squeeze %dma_start3A_617 : memref<1x!tpu.dma_semaphore, #tpu.memory_space<semaphore_mem>> -> memref<!tpu.dma_semaphore, #tpu.memory_space<semaphore_mem>>
      %dma_start3A_619 = arith.constant 0 : i32
      %dma_start3A_620 = tpu.memref_slice %arg4[%select_n3A_588, %add3A_607, %dma_start3A_619] : memref<50x4096x128xf32, #tpu.memory_space<hbm>> -> memref<1x64x128xf32, #tpu.memory_space<hbm>>
      %dma_start3A_621 = tpu.memref_squeeze %dma_start3A_620 : memref<1x64x128xf32, #tpu.memory_space<hbm>> -> memref<64x128xf32, #tpu.memory_space<hbm>>
      %dma_start3A_622 = arith.constant 0 : i32
      %dma_start3A_623 = arith.constant 0 : i32
      %dma_start3A_624 = tpu.memref_slice %arg6[%dma_start3A_608, %dma_start3A_622, %dma_start3A_623] : memref<10x64x128xf32, #tpu.memory_space<vmem>> -> memref<1x64x128xf32, #tpu.memory_space<vmem>>
      %dma_start3A_625 = tpu.memref_squeeze %dma_start3A_624 : memref<1x64x128xf32, #tpu.memory_space<vmem>> -> memref<64x128xf32, #tpu.memory_space<vmem>>
      tpu.enqueue_dma source(%dma_start3A_625 : memref<64x128xf32, #tpu.memory_space<vmem>>) target(%dma_start3A_621 : memref<64x128xf32, #tpu.memory_space<hbm>>) target_semaphore(%dma_start3A_618 : memref<!tpu.dma_semaphore, #tpu.memory_space<semaphore_mem>>)
      %dma_wait3A_626 = arith.constant 0 : i32
      %dma_wait3A_627 = arith.constant 6 : i32
      %dma_wait3A_628 = arith.constant 6 : i32
      %dma_wait3A_629 = arith.constant 0 : i32
      %dma_wait3A_630 = arith.constant 0 : i32
      %dma_wait3A_631 = tpu.memref_slice %arg6[%dma_wait3A_627, %dma_wait3A_629, %dma_wait3A_630] : memref<10x64x128xf32, #tpu.memory_space<vmem>> -> memref<1x64x128xf32, #tpu.memory_space<vmem>>
      %dma_wait3A_632 = tpu.memref_squeeze %dma_wait3A_631 : memref<1x64x128xf32, #tpu.memory_space<vmem>> -> memref<64x128xf32, #tpu.memory_space<vmem>>
      %dma_wait3A_633 = arith.constant 0 : i32
      %dma_wait3A_634 = tpu.memref_slice %arg5[%dma_wait3A_626, %dma_wait3A_633] : memref<50x128xi32, #tpu.memory_space<vmem>> -> memref<1x64xi32, #tpu.memory_space<vmem>>
      %dma_wait3A_635 = tpu.memref_squeeze %dma_wait3A_634 : memref<1x64xi32, #tpu.memory_space<vmem>> -> memref<64xi32, #tpu.memory_space<vmem>>
      %dma_wait3A_636 = arith.constant 0 : i32
      %dma_wait3A_637 = arith.constant 0 : i32
      %dma_wait3A_638 = tpu.memref_slice %arg3[%dma_wait3A_636, %dma_wait3A_637] : memref<100000x128xf32, #tpu.memory_space<hbm>> -> memref<100000x128xf32, #tpu.memory_space<hbm>>
      %dma_wait3A_639 = tpu.memref_slice %arg7[%dma_wait3A_628] : memref<10x!tpu.dma_semaphore, #tpu.memory_space<semaphore_mem>> -> memref<1x!tpu.dma_semaphore, #tpu.memory_space<semaphore_mem>>
      %dma_wait3A_640 = tpu.memref_squeeze %dma_wait3A_639 : memref<1x!tpu.dma_semaphore, #tpu.memory_space<semaphore_mem>> -> memref<!tpu.dma_semaphore, #tpu.memory_space<semaphore_mem>>
      tpu.wait_indirect_dma semaphore(%dma_wait3A_640 : memref<!tpu.dma_semaphore, #tpu.memory_space<semaphore_mem>>) src(%dma_wait3A_638 : memref<100000x128xf32, #tpu.memory_space<hbm>>) dst(%dma_wait3A_632 : memref<64x128xf32, #tpu.memory_space<vmem>>)
      %mul3A_641 = arith.constant 10 : i32
      %mul3A_642 = arith.muli %scan3A_156, %mul3A_641 : i32
      %add3A_643 = arith.constant 6 : i32
      %add3A_644 = arith.addi %mul3A_642, %add3A_643 : i32
      %jit3A_645 = arith.constant 2 : i32
      %div3A_646 = arith.divsi %add3A_644, %jit3A_645 : i32
      %sign3A_647 = arith.constant 0 : i32
      %sign3A_648 = arith.cmpi sgt, %add3A_644, %sign3A_647 : i32
      %sign3A_649 = arith.extui %sign3A_648 : i1 to i32
      %sign3A_650 = arith.constant 0 : i32
      %sign3A_651 = arith.cmpi slt, %add3A_644, %sign3A_650 : i32
      %sign3A_652 = arith.extui %sign3A_651 : i1 to i32
      %sign3A_653 = arith.subi %sign3A_649, %sign3A_652 : i32
      %sign3A_654 = arith.constant 0 : i32
      %sign3A_655 = arith.cmpi sgt, %jit3A_645, %sign3A_654 : i32
      %sign3A_656 = arith.extui %sign3A_655 : i1 to i32
      %sign3A_657 = arith.constant 0 : i32
      %sign3A_658 = arith.cmpi slt, %jit3A_645, %sign3A_657 : i32
      %sign3A_659 = arith.extui %sign3A_658 : i1 to i32
      %sign3A_660 = arith.subi %sign3A_656, %sign3A_659 : i32
      %ne3A_661 = arith.cmpi ne, %sign3A_653, %sign3A_660 : i32
      %rem3A_662 = arith.remsi %add3A_644, %jit3A_645 : i32
      %ne3A_663 = arith.constant 0 : i32
      %ne3A_664 = arith.cmpi ne, %rem3A_662, %ne3A_663 : i32
      %and3A_665 = arith.andi %ne3A_661, %ne3A_664 : i1
      %sub3A_666 = arith.constant 1 : i32
      %sub3A_667 = arith.subi %div3A_646, %sub3A_666 : i32
      %select_n3A_668 = arith.select %and3A_665, %sub3A_667, %div3A_646 : i32
      %jit3A_669 = arith.constant 2 : i32
      %eq3A_670 = arith.constant 0 : i32
      %eq3A_671 = arith.cmpi eq, %jit3A_669, %eq3A_670 : i32
      %jit3A_672 = arith.constant 1 : i32
      %select_n3A_673 = arith.select %eq3A_671, %jit3A_672, %jit3A_669 : i32
      %rem3A_674 = arith.remsi %add3A_644, %select_n3A_673 : i32
      %ne3A_675 = arith.constant 0 : i32
      %ne3A_676 = arith.cmpi ne, %rem3A_674, %ne3A_675 : i32
      %lt3A_677 = arith.constant 0 : i32
      %lt3A_678 = arith.cmpi slt, %rem3A_674, %lt3A_677 : i32
      %lt3A_679 = arith.constant 0 : i32
      %lt3A_680 = arith.cmpi slt, %select_n3A_673, %lt3A_679 : i32
      %ne3A_681 = arith.xori %lt3A_678, %lt3A_680 : i1
      %and3A_682 = arith.andi %ne3A_681, %ne3A_676 : i1
      %add3A_683 = arith.addi %rem3A_674, %select_n3A_673 : i32
      %select_n3A_684 = arith.select %and3A_682, %add3A_683, %rem3A_674 : i32
      %mul3A_685 = arith.constant 64 : i32
      %mul3A_686 = arith.muli %select_n3A_684, %mul3A_685 : i32
      %add3A_687 = arith.addi %mul3A_2, %mul3A_686 : i32
      %dma_start3A_688 = arith.constant 6 : i32
      %dma_start3A_689 = arith.constant 6 : i32
      %dma_start3A_690 = arith.constant 0 : i32
      %dma_start3A_691 = arith.constant 0 : i32
      %dma_start3A_692 = tpu.memref_slice %arg6[%dma_start3A_688, %dma_start3A_690, %dma_start3A_691] : memref<10x64x128xf32, #tpu.memory_space<vmem>> -> memref<1x64x128xf32, #tpu.memory_space<vmem>>
      %dma_start3A_693 = tpu.memref_squeeze %dma_start3A_692 : memref<1x64x128xf32, #tpu.memory_space<vmem>> -> memref<64x128xf32, #tpu.memory_space<vmem>>
      %dma_start3A_694 = arith.constant 0 : i32
      %dma_start3A_695 = tpu.memref_slice %arg4[%select_n3A_668, %add3A_687, %dma_start3A_694] : memref<50x4096x128xf32, #tpu.memory_space<hbm>> -> memref<1x64x128xf32, #tpu.memory_space<hbm>>
      %dma_start3A_696 = tpu.memref_squeeze %dma_start3A_695 : memref<1x64x128xf32, #tpu.memory_space<hbm>> -> memref<64x128xf32, #tpu.memory_space<hbm>>
      %dma_start3A_697 = tpu.memref_slice %arg8[%dma_start3A_689] : memref<10x!tpu.dma_semaphore, #tpu.memory_space<semaphore_mem>> -> memref<1x!tpu.dma_semaphore, #tpu.memory_space<semaphore_mem>>
      %dma_start3A_698 = tpu.memref_squeeze %dma_start3A_697 : memref<1x!tpu.dma_semaphore, #tpu.memory_space<semaphore_mem>> -> memref<!tpu.dma_semaphore, #tpu.memory_space<semaphore_mem>>
      %dma_start3A_699 = arith.constant 0 : i32
      %dma_start3A_700 = tpu.memref_slice %arg4[%select_n3A_668, %add3A_687, %dma_start3A_699] : memref<50x4096x128xf32, #tpu.memory_space<hbm>> -> memref<1x64x128xf32, #tpu.memory_space<hbm>>
      %dma_start3A_701 = tpu.memref_squeeze %dma_start3A_700 : memref<1x64x128xf32, #tpu.memory_space<hbm>> -> memref<64x128xf32, #tpu.memory_space<hbm>>
      %dma_start3A_702 = arith.constant 0 : i32
      %dma_start3A_703 = arith.constant 0 : i32
      %dma_start3A_704 = tpu.memref_slice %arg6[%dma_start3A_688, %dma_start3A_702, %dma_start3A_703] : memref<10x64x128xf32, #tpu.memory_space<vmem>> -> memref<1x64x128xf32, #tpu.memory_space<vmem>>
      %dma_start3A_705 = tpu.memref_squeeze %dma_start3A_704 : memref<1x64x128xf32, #tpu.memory_space<vmem>> -> memref<64x128xf32, #tpu.memory_space<vmem>>
      tpu.enqueue_dma source(%dma_start3A_705 : memref<64x128xf32, #tpu.memory_space<vmem>>) target(%dma_start3A_701 : memref<64x128xf32, #tpu.memory_space<hbm>>) target_semaphore(%dma_start3A_698 : memref<!tpu.dma_semaphore, #tpu.memory_space<semaphore_mem>>)
      %dma_wait3A_706 = arith.constant 0 : i32
      %dma_wait3A_707 = arith.constant 7 : i32
      %dma_wait3A_708 = arith.constant 7 : i32
      %dma_wait3A_709 = arith.constant 0 : i32
      %dma_wait3A_710 = arith.constant 0 : i32
      %dma_wait3A_711 = tpu.memref_slice %arg6[%dma_wait3A_707, %dma_wait3A_709, %dma_wait3A_710] : memref<10x64x128xf32, #tpu.memory_space<vmem>> -> memref<1x64x128xf32, #tpu.memory_space<vmem>>
      %dma_wait3A_712 = tpu.memref_squeeze %dma_wait3A_711 : memref<1x64x128xf32, #tpu.memory_space<vmem>> -> memref<64x128xf32, #tpu.memory_space<vmem>>
      %dma_wait3A_713 = arith.constant 0 : i32
      %dma_wait3A_714 = tpu.memref_slice %arg5[%dma_wait3A_706, %dma_wait3A_713] : memref<50x128xi32, #tpu.memory_space<vmem>> -> memref<1x64xi32, #tpu.memory_space<vmem>>
      %dma_wait3A_715 = tpu.memref_squeeze %dma_wait3A_714 : memref<1x64xi32, #tpu.memory_space<vmem>> -> memref<64xi32, #tpu.memory_space<vmem>>
      %dma_wait3A_716 = arith.constant 0 : i32
      %dma_wait3A_717 = arith.constant 0 : i32
      %dma_wait3A_718 = tpu.memref_slice %arg3[%dma_wait3A_716, %dma_wait3A_717] : memref<100000x128xf32, #tpu.memory_space<hbm>> -> memref<100000x128xf32, #tpu.memory_space<hbm>>
      %dma_wait3A_719 = tpu.memref_slice %arg7[%dma_wait3A_708] : memref<10x!tpu.dma_semaphore, #tpu.memory_space<semaphore_mem>> -> memref<1x!tpu.dma_semaphore, #tpu.memory_space<semaphore_mem>>
      %dma_wait3A_720 = tpu.memref_squeeze %dma_wait3A_719 : memref<1x!tpu.dma_semaphore, #tpu.memory_space<semaphore_mem>> -> memref<!tpu.dma_semaphore, #tpu.memory_space<semaphore_mem>>
      tpu.wait_indirect_dma semaphore(%dma_wait3A_720 : memref<!tpu.dma_semaphore, #tpu.memory_space<semaphore_mem>>) src(%dma_wait3A_718 : memref<100000x128xf32, #tpu.memory_space<hbm>>) dst(%dma_wait3A_712 : memref<64x128xf32, #tpu.memory_space<vmem>>)
      %mul3A_721 = arith.constant 10 : i32
      %mul3A_722 = arith.muli %scan3A_156, %mul3A_721 : i32
      %add3A_723 = arith.constant 7 : i32
      %add3A_724 = arith.addi %mul3A_722, %add3A_723 : i32
      %jit3A_725 = arith.constant 2 : i32
      %div3A_726 = arith.divsi %add3A_724, %jit3A_725 : i32
      %sign3A_727 = arith.constant 0 : i32
      %sign3A_728 = arith.cmpi sgt, %add3A_724, %sign3A_727 : i32
      %sign3A_729 = arith.extui %sign3A_728 : i1 to i32
      %sign3A_730 = arith.constant 0 : i32
      %sign3A_731 = arith.cmpi slt, %add3A_724, %sign3A_730 : i32
      %sign3A_732 = arith.extui %sign3A_731 : i1 to i32
      %sign3A_733 = arith.subi %sign3A_729, %sign3A_732 : i32
      %sign3A_734 = arith.constant 0 : i32
      %sign3A_735 = arith.cmpi sgt, %jit3A_725, %sign3A_734 : i32
      %sign3A_736 = arith.extui %sign3A_735 : i1 to i32
      %sign3A_737 = arith.constant 0 : i32
      %sign3A_738 = arith.cmpi slt, %jit3A_725, %sign3A_737 : i32
      %sign3A_739 = arith.extui %sign3A_738 : i1 to i32
      %sign3A_740 = arith.subi %sign3A_736, %sign3A_739 : i32
      %ne3A_741 = arith.cmpi ne, %sign3A_733, %sign3A_740 : i32
      %rem3A_742 = arith.remsi %add3A_724, %jit3A_725 : i32
      %ne3A_743 = arith.constant 0 : i32
      %ne3A_744 = arith.cmpi ne, %rem3A_742, %ne3A_743 : i32
      %and3A_745 = arith.andi %ne3A_741, %ne3A_744 : i1
      %sub3A_746 = arith.constant 1 : i32
      %sub3A_747 = arith.subi %div3A_726, %sub3A_746 : i32
      %select_n3A_748 = arith.select %and3A_745, %sub3A_747, %div3A_726 : i32
      %jit3A_749 = arith.constant 2 : i32
      %eq3A_750 = arith.constant 0 : i32
      %eq3A_751 = arith.cmpi eq, %jit3A_749, %eq3A_750 : i32
      %jit3A_752 = arith.constant 1 : i32
      %select_n3A_753 = arith.select %eq3A_751, %jit3A_752, %jit3A_749 : i32
      %rem3A_754 = arith.remsi %add3A_724, %select_n3A_753 : i32
      %ne3A_755 = arith.constant 0 : i32
      %ne3A_756 = arith.cmpi ne, %rem3A_754, %ne3A_755 : i32
      %lt3A_757 = arith.constant 0 : i32
      %lt3A_758 = arith.cmpi slt, %rem3A_754, %lt3A_757 : i32
      %lt3A_759 = arith.constant 0 : i32
      %lt3A_760 = arith.cmpi slt, %select_n3A_753, %lt3A_759 : i32
      %ne3A_761 = arith.xori %lt3A_758, %lt3A_760 : i1
      %and3A_762 = arith.andi %ne3A_761, %ne3A_756 : i1
      %add3A_763 = arith.addi %rem3A_754, %select_n3A_753 : i32
      %select_n3A_764 = arith.select %and3A_762, %add3A_763, %rem3A_754 : i32
      %mul3A_765 = arith.constant 64 : i32
      %mul3A_766 = arith.muli %select_n3A_764, %mul3A_765 : i32
      %add3A_767 = arith.addi %mul3A_2, %mul3A_766 : i32
      %dma_start3A_768 = arith.constant 7 : i32
      %dma_start3A_769 = arith.constant 7 : i32
      %dma_start3A_770 = arith.constant 0 : i32
      %dma_start3A_771 = arith.constant 0 : i32
      %dma_start3A_772 = tpu.memref_slice %arg6[%dma_start3A_768, %dma_start3A_770, %dma_start3A_771] : memref<10x64x128xf32, #tpu.memory_space<vmem>> -> memref<1x64x128xf32, #tpu.memory_space<vmem>>
      %dma_start3A_773 = tpu.memref_squeeze %dma_start3A_772 : memref<1x64x128xf32, #tpu.memory_space<vmem>> -> memref<64x128xf32, #tpu.memory_space<vmem>>
      %dma_start3A_774 = arith.constant 0 : i32
      %dma_start3A_775 = tpu.memref_slice %arg4[%select_n3A_748, %add3A_767, %dma_start3A_774] : memref<50x4096x128xf32, #tpu.memory_space<hbm>> -> memref<1x64x128xf32, #tpu.memory_space<hbm>>
      %dma_start3A_776 = tpu.memref_squeeze %dma_start3A_775 : memref<1x64x128xf32, #tpu.memory_space<hbm>> -> memref<64x128xf32, #tpu.memory_space<hbm>>
      %dma_start3A_777 = tpu.memref_slice %arg8[%dma_start3A_769] : memref<10x!tpu.dma_semaphore, #tpu.memory_space<semaphore_mem>> -> memref<1x!tpu.dma_semaphore, #tpu.memory_space<semaphore_mem>>
      %dma_start3A_778 = tpu.memref_squeeze %dma_start3A_777 : memref<1x!tpu.dma_semaphore, #tpu.memory_space<semaphore_mem>> -> memref<!tpu.dma_semaphore, #tpu.memory_space<semaphore_mem>>
      %dma_start3A_779 = arith.constant 0 : i32
      %dma_start3A_780 = tpu.memref_slice %arg4[%select_n3A_748, %add3A_767, %dma_start3A_779] : memref<50x4096x128xf32, #tpu.memory_space<hbm>> -> memref<1x64x128xf32, #tpu.memory_space<hbm>>
      %dma_start3A_781 = tpu.memref_squeeze %dma_start3A_780 : memref<1x64x128xf32, #tpu.memory_space<hbm>> -> memref<64x128xf32, #tpu.memory_space<hbm>>
      %dma_start3A_782 = arith.constant 0 : i32
      %dma_start3A_783 = arith.constant 0 : i32
      %dma_start3A_784 = tpu.memref_slice %arg6[%dma_start3A_768, %dma_start3A_782, %dma_start3A_783] : memref<10x64x128xf32, #tpu.memory_space<vmem>> -> memref<1x64x128xf32, #tpu.memory_space<vmem>>
      %dma_start3A_785 = tpu.memref_squeeze %dma_start3A_784 : memref<1x64x128xf32, #tpu.memory_space<vmem>> -> memref<64x128xf32, #tpu.memory_space<vmem>>
      tpu.enqueue_dma source(%dma_start3A_785 : memref<64x128xf32, #tpu.memory_space<vmem>>) target(%dma_start3A_781 : memref<64x128xf32, #tpu.memory_space<hbm>>) target_semaphore(%dma_start3A_778 : memref<!tpu.dma_semaphore, #tpu.memory_space<semaphore_mem>>)
      %dma_wait3A_786 = arith.constant 0 : i32
      %dma_wait3A_787 = arith.constant 8 : i32
      %dma_wait3A_788 = arith.constant 8 : i32
      %dma_wait3A_789 = arith.constant 0 : i32
      %dma_wait3A_790 = arith.constant 0 : i32
      %dma_wait3A_791 = tpu.memref_slice %arg6[%dma_wait3A_787, %dma_wait3A_789, %dma_wait3A_790] : memref<10x64x128xf32, #tpu.memory_space<vmem>> -> memref<1x64x128xf32, #tpu.memory_space<vmem>>
      %dma_wait3A_792 = tpu.memref_squeeze %dma_wait3A_791 : memref<1x64x128xf32, #tpu.memory_space<vmem>> -> memref<64x128xf32, #tpu.memory_space<vmem>>
      %dma_wait3A_793 = arith.constant 0 : i32
      %dma_wait3A_794 = tpu.memref_slice %arg5[%dma_wait3A_786, %dma_wait3A_793] : memref<50x128xi32, #tpu.memory_space<vmem>> -> memref<1x64xi32, #tpu.memory_space<vmem>>
      %dma_wait3A_795 = tpu.memref_squeeze %dma_wait3A_794 : memref<1x64xi32, #tpu.memory_space<vmem>> -> memref<64xi32, #tpu.memory_space<vmem>>
      %dma_wait3A_796 = arith.constant 0 : i32
      %dma_wait3A_797 = arith.constant 0 : i32
      %dma_wait3A_798 = tpu.memref_slice %arg3[%dma_wait3A_796, %dma_wait3A_797] : memref<100000x128xf32, #tpu.memory_space<hbm>> -> memref<100000x128xf32, #tpu.memory_space<hbm>>
      %dma_wait3A_799 = tpu.memref_slice %arg7[%dma_wait3A_788] : memref<10x!tpu.dma_semaphore, #tpu.memory_space<semaphore_mem>> -> memref<1x!tpu.dma_semaphore, #tpu.memory_space<semaphore_mem>>
      %dma_wait3A_800 = tpu.memref_squeeze %dma_wait3A_799 : memref<1x!tpu.dma_semaphore, #tpu.memory_space<semaphore_mem>> -> memref<!tpu.dma_semaphore, #tpu.memory_space<semaphore_mem>>
      tpu.wait_indirect_dma semaphore(%dma_wait3A_800 : memref<!tpu.dma_semaphore, #tpu.memory_space<semaphore_mem>>) src(%dma_wait3A_798 : memref<100000x128xf32, #tpu.memory_space<hbm>>) dst(%dma_wait3A_792 : memref<64x128xf32, #tpu.memory_space<vmem>>)
      %mul3A_801 = arith.constant 10 : i32
      %mul3A_802 = arith.muli %scan3A_156, %mul3A_801 : i32
      %add3A_803 = arith.constant 8 : i32
      %add3A_804 = arith.addi %mul3A_802, %add3A_803 : i32
      %jit3A_805 = arith.constant 2 : i32
      %div3A_806 = arith.divsi %add3A_804, %jit3A_805 : i32
      %sign3A_807 = arith.constant 0 : i32
      %sign3A_808 = arith.cmpi sgt, %add3A_804, %sign3A_807 : i32
      %sign3A_809 = arith.extui %sign3A_808 : i1 to i32
      %sign3A_810 = arith.constant 0 : i32
      %sign3A_811 = arith.cmpi slt, %add3A_804, %sign3A_810 : i32
      %sign3A_812 = arith.extui %sign3A_811 : i1 to i32
      %sign3A_813 = arith.subi %sign3A_809, %sign3A_812 : i32
      %sign3A_814 = arith.constant 0 : i32
      %sign3A_815 = arith.cmpi sgt, %jit3A_805, %sign3A_814 : i32
      %sign3A_816 = arith.extui %sign3A_815 : i1 to i32
      %sign3A_817 = arith.constant 0 : i32
      %sign3A_818 = arith.cmpi slt, %jit3A_805, %sign3A_817 : i32
      %sign3A_819 = arith.extui %sign3A_818 : i1 to i32
      %sign3A_820 = arith.subi %sign3A_816, %sign3A_819 : i32
      %ne3A_821 = arith.cmpi ne, %sign3A_813, %sign3A_820 : i32
      %rem3A_822 = arith.remsi %add3A_804, %jit3A_805 : i32
      %ne3A_823 = arith.constant 0 : i32
      %ne3A_824 = arith.cmpi ne, %rem3A_822, %ne3A_823 : i32
      %and3A_825 = arith.andi %ne3A_821, %ne3A_824 : i1
      %sub3A_826 = arith.constant 1 : i32
      %sub3A_827 = arith.subi %div3A_806, %sub3A_826 : i32
      %select_n3A_828 = arith.select %and3A_825, %sub3A_827, %div3A_806 : i32
      %jit3A_829 = arith.constant 2 : i32
      %eq3A_830 = arith.constant 0 : i32
      %eq3A_831 = arith.cmpi eq, %jit3A_829, %eq3A_830 : i32
      %jit3A_832 = arith.constant 1 : i32
      %select_n3A_833 = arith.select %eq3A_831, %jit3A_832, %jit3A_829 : i32
      %rem3A_834 = arith.remsi %add3A_804, %select_n3A_833 : i32
      %ne3A_835 = arith.constant 0 : i32
      %ne3A_836 = arith.cmpi ne, %rem3A_834, %ne3A_835 : i32
      %lt3A_837 = arith.constant 0 : i32
      %lt3A_838 = arith.cmpi slt, %rem3A_834, %lt3A_837 : i32
      %lt3A_839 = arith.constant 0 : i32
      %lt3A_840 = arith.cmpi slt, %select_n3A_833, %lt3A_839 : i32
      %ne3A_841 = arith.xori %lt3A_838, %lt3A_840 : i1
      %and3A_842 = arith.andi %ne3A_841, %ne3A_836 : i1
      %add3A_843 = arith.addi %rem3A_834, %select_n3A_833 : i32
      %select_n3A_844 = arith.select %and3A_842, %add3A_843, %rem3A_834 : i32
      %mul3A_845 = arith.constant 64 : i32
      %mul3A_846 = arith.muli %select_n3A_844, %mul3A_845 : i32
      %add3A_847 = arith.addi %mul3A_2, %mul3A_846 : i32
      %dma_start3A_848 = arith.constant 8 : i32
      %dma_start3A_849 = arith.constant 8 : i32
      %dma_start3A_850 = arith.constant 0 : i32
      %dma_start3A_851 = arith.constant 0 : i32
      %dma_start3A_852 = tpu.memref_slice %arg6[%dma_start3A_848, %dma_start3A_850, %dma_start3A_851] : memref<10x64x128xf32, #tpu.memory_space<vmem>> -> memref<1x64x128xf32, #tpu.memory_space<vmem>>
      %dma_start3A_853 = tpu.memref_squeeze %dma_start3A_852 : memref<1x64x128xf32, #tpu.memory_space<vmem>> -> memref<64x128xf32, #tpu.memory_space<vmem>>
      %dma_start3A_854 = arith.constant 0 : i32
      %dma_start3A_855 = tpu.memref_slice %arg4[%select_n3A_828, %add3A_847, %dma_start3A_854] : memref<50x4096x128xf32, #tpu.memory_space<hbm>> -> memref<1x64x128xf32, #tpu.memory_space<hbm>>
      %dma_start3A_856 = tpu.memref_squeeze %dma_start3A_855 : memref<1x64x128xf32, #tpu.memory_space<hbm>> -> memref<64x128xf32, #tpu.memory_space<hbm>>
      %dma_start3A_857 = tpu.memref_slice %arg8[%dma_start3A_849] : memref<10x!tpu.dma_semaphore, #tpu.memory_space<semaphore_mem>> -> memref<1x!tpu.dma_semaphore, #tpu.memory_space<semaphore_mem>>
      %dma_start3A_858 = tpu.memref_squeeze %dma_start3A_857 : memref<1x!tpu.dma_semaphore, #tpu.memory_space<semaphore_mem>> -> memref<!tpu.dma_semaphore, #tpu.memory_space<semaphore_mem>>
      %dma_start3A_859 = arith.constant 0 : i32
      %dma_start3A_860 = tpu.memref_slice %arg4[%select_n3A_828, %add3A_847, %dma_start3A_859] : memref<50x4096x128xf32, #tpu.memory_space<hbm>> -> memref<1x64x128xf32, #tpu.memory_space<hbm>>
      %dma_start3A_861 = tpu.memref_squeeze %dma_start3A_860 : memref<1x64x128xf32, #tpu.memory_space<hbm>> -> memref<64x128xf32, #tpu.memory_space<hbm>>
      %dma_start3A_862 = arith.constant 0 : i32
      %dma_start3A_863 = arith.constant 0 : i32
      %dma_start3A_864 = tpu.memref_slice %arg6[%dma_start3A_848, %dma_start3A_862, %dma_start3A_863] : memref<10x64x128xf32, #tpu.memory_space<vmem>> -> memref<1x64x128xf32, #tpu.memory_space<vmem>>
      %dma_start3A_865 = tpu.memref_squeeze %dma_start3A_864 : memref<1x64x128xf32, #tpu.memory_space<vmem>> -> memref<64x128xf32, #tpu.memory_space<vmem>>
      tpu.enqueue_dma source(%dma_start3A_865 : memref<64x128xf32, #tpu.memory_space<vmem>>) target(%dma_start3A_861 : memref<64x128xf32, #tpu.memory_space<hbm>>) target_semaphore(%dma_start3A_858 : memref<!tpu.dma_semaphore, #tpu.memory_space<semaphore_mem>>)
      %dma_wait3A_866 = arith.constant 0 : i32
      %dma_wait3A_867 = arith.constant 9 : i32
      %dma_wait3A_868 = arith.constant 9 : i32
      %dma_wait3A_869 = arith.constant 0 : i32
      %dma_wait3A_870 = arith.constant 0 : i32
      %dma_wait3A_871 = tpu.memref_slice %arg6[%dma_wait3A_867, %dma_wait3A_869, %dma_wait3A_870] : memref<10x64x128xf32, #tpu.memory_space<vmem>> -> memref<1x64x128xf32, #tpu.memory_space<vmem>>
      %dma_wait3A_872 = tpu.memref_squeeze %dma_wait3A_871 : memref<1x64x128xf32, #tpu.memory_space<vmem>> -> memref<64x128xf32, #tpu.memory_space<vmem>>
      %dma_wait3A_873 = arith.constant 0 : i32
      %dma_wait3A_874 = tpu.memref_slice %arg5[%dma_wait3A_866, %dma_wait3A_873] : memref<50x128xi32, #tpu.memory_space<vmem>> -> memref<1x64xi32, #tpu.memory_space<vmem>>
      %dma_wait3A_875 = tpu.memref_squeeze %dma_wait3A_874 : memref<1x64xi32, #tpu.memory_space<vmem>> -> memref<64xi32, #tpu.memory_space<vmem>>
      %dma_wait3A_876 = arith.constant 0 : i32
      %dma_wait3A_877 = arith.constant 0 : i32
      %dma_wait3A_878 = tpu.memref_slice %arg3[%dma_wait3A_876, %dma_wait3A_877] : memref<100000x128xf32, #tpu.memory_space<hbm>> -> memref<100000x128xf32, #tpu.memory_space<hbm>>
      %dma_wait3A_879 = tpu.memref_slice %arg7[%dma_wait3A_868] : memref<10x!tpu.dma_semaphore, #tpu.memory_space<semaphore_mem>> -> memref<1x!tpu.dma_semaphore, #tpu.memory_space<semaphore_mem>>
      %dma_wait3A_880 = tpu.memref_squeeze %dma_wait3A_879 : memref<1x!tpu.dma_semaphore, #tpu.memory_space<semaphore_mem>> -> memref<!tpu.dma_semaphore, #tpu.memory_space<semaphore_mem>>
      tpu.wait_indirect_dma semaphore(%dma_wait3A_880 : memref<!tpu.dma_semaphore, #tpu.memory_space<semaphore_mem>>) src(%dma_wait3A_878 : memref<100000x128xf32, #tpu.memory_space<hbm>>) dst(%dma_wait3A_872 : memref<64x128xf32, #tpu.memory_space<vmem>>)
      %mul3A_881 = arith.constant 10 : i32
      %mul3A_882 = arith.muli %scan3A_156, %mul3A_881 : i32
      %add3A_883 = arith.constant 9 : i32
      %add3A_884 = arith.addi %mul3A_882, %add3A_883 : i32
      %jit3A_885 = arith.constant 2 : i32
      %div3A_886 = arith.divsi %add3A_884, %jit3A_885 : i32
      %sign3A_887 = arith.constant 0 : i32
      %sign3A_888 = arith.cmpi sgt, %add3A_884, %sign3A_887 : i32
      %sign3A_889 = arith.extui %sign3A_888 : i1 to i32
      %sign3A_890 = arith.constant 0 : i32
      %sign3A_891 = arith.cmpi slt, %add3A_884, %sign3A_890 : i32
      %sign3A_892 = arith.extui %sign3A_891 : i1 to i32
      %sign3A_893 = arith.subi %sign3A_889, %sign3A_892 : i32
      %sign3A_894 = arith.constant 0 : i32
      %sign3A_895 = arith.cmpi sgt, %jit3A_885, %sign3A_894 : i32
      %sign3A_896 = arith.extui %sign3A_895 : i1 to i32
      %sign3A_897 = arith.constant 0 : i32
      %sign3A_898 = arith.cmpi slt, %jit3A_885, %sign3A_897 : i32
      %sign3A_899 = arith.extui %sign3A_898 : i1 to i32
      %sign3A_900 = arith.subi %sign3A_896, %sign3A_899 : i32
      %ne3A_901 = arith.cmpi ne, %sign3A_893, %sign3A_900 : i32
      %rem3A_902 = arith.remsi %add3A_884, %jit3A_885 : i32
      %ne3A_903 = arith.constant 0 : i32
      %ne3A_904 = arith.cmpi ne, %rem3A_902, %ne3A_903 : i32
      %and3A_905 = arith.andi %ne3A_901, %ne3A_904 : i1
      %sub3A_906 = arith.constant 1 : i32
      %sub3A_907 = arith.subi %div3A_886, %sub3A_906 : i32
      %select_n3A_908 = arith.select %and3A_905, %sub3A_907, %div3A_886 : i32
      %jit3A_909 = arith.constant 2 : i32
      %eq3A_910 = arith.constant 0 : i32
      %eq3A_911 = arith.cmpi eq, %jit3A_909, %eq3A_910 : i32
      %jit3A_912 = arith.constant 1 : i32
      %select_n3A_913 = arith.select %eq3A_911, %jit3A_912, %jit3A_909 : i32
      %rem3A_914 = arith.remsi %add3A_884, %select_n3A_913 : i32
      %ne3A_915 = arith.constant 0 : i32
      %ne3A_916 = arith.cmpi ne, %rem3A_914, %ne3A_915 : i32
      %lt3A_917 = arith.constant 0 : i32
      %lt3A_918 = arith.cmpi slt, %rem3A_914, %lt3A_917 : i32
      %lt3A_919 = arith.constant 0 : i32
      %lt3A_920 = arith.cmpi slt, %select_n3A_913, %lt3A_919 : i32
      %ne3A_921 = arith.xori %lt3A_918, %lt3A_920 : i1
      %and3A_922 = arith.andi %ne3A_921, %ne3A_916 : i1
      %add3A_923 = arith.addi %rem3A_914, %select_n3A_913 : i32
      %select_n3A_924 = arith.select %and3A_922, %add3A_923, %rem3A_914 : i32
      %mul3A_925 = arith.constant 64 : i32
      %mul3A_926 = arith.muli %select_n3A_924, %mul3A_925 : i32
      %add3A_927 = arith.addi %mul3A_2, %mul3A_926 : i32
      %dma_start3A_928 = arith.constant 9 : i32
      %dma_start3A_929 = arith.constant 9 : i32
      %dma_start3A_930 = arith.constant 0 : i32
      %dma_start3A_931 = arith.constant 0 : i32
      %dma_start3A_932 = tpu.memref_slice %arg6[%dma_start3A_928, %dma_start3A_930, %dma_start3A_931] : memref<10x64x128xf32, #tpu.memory_space<vmem>> -> memref<1x64x128xf32, #tpu.memory_space<vmem>>
      %dma_start3A_933 = tpu.memref_squeeze %dma_start3A_932 : memref<1x64x128xf32, #tpu.memory_space<vmem>> -> memref<64x128xf32, #tpu.memory_space<vmem>>
      %dma_start3A_934 = arith.constant 0 : i32
      %dma_start3A_935 = tpu.memref_slice %arg4[%select_n3A_908, %add3A_927, %dma_start3A_934] : memref<50x4096x128xf32, #tpu.memory_space<hbm>> -> memref<1x64x128xf32, #tpu.memory_space<hbm>>
      %dma_start3A_936 = tpu.memref_squeeze %dma_start3A_935 : memref<1x64x128xf32, #tpu.memory_space<hbm>> -> memref<64x128xf32, #tpu.memory_space<hbm>>
      %dma_start3A_937 = tpu.memref_slice %arg8[%dma_start3A_929] : memref<10x!tpu.dma_semaphore, #tpu.memory_space<semaphore_mem>> -> memref<1x!tpu.dma_semaphore, #tpu.memory_space<semaphore_mem>>
      %dma_start3A_938 = tpu.memref_squeeze %dma_start3A_937 : memref<1x!tpu.dma_semaphore, #tpu.memory_space<semaphore_mem>> -> memref<!tpu.dma_semaphore, #tpu.memory_space<semaphore_mem>>
      %dma_start3A_939 = arith.constant 0 : i32
      %dma_start3A_940 = tpu.memref_slice %arg4[%select_n3A_908, %add3A_927, %dma_start3A_939] : memref<50x4096x128xf32, #tpu.memory_space<hbm>> -> memref<1x64x128xf32, #tpu.memory_space<hbm>>
      %dma_start3A_941 = tpu.memref_squeeze %dma_start3A_940 : memref<1x64x128xf32, #tpu.memory_space<hbm>> -> memref<64x128xf32, #tpu.memory_space<hbm>>
      %dma_start3A_942 = arith.constant 0 : i32
      %dma_start3A_943 = arith.constant 0 : i32
      %dma_start3A_944 = tpu.memref_slice %arg6[%dma_start3A_928, %dma_start3A_942, %dma_start3A_943] : memref<10x64x128xf32, #tpu.memory_space<vmem>> -> memref<1x64x128xf32, #tpu.memory_space<vmem>>
      %dma_start3A_945 = tpu.memref_squeeze %dma_start3A_944 : memref<1x64x128xf32, #tpu.memory_space<vmem>> -> memref<64x128xf32, #tpu.memory_space<vmem>>
      tpu.enqueue_dma source(%dma_start3A_945 : memref<64x128xf32, #tpu.memory_space<vmem>>) target(%dma_start3A_941 : memref<64x128xf32, #tpu.memory_space<hbm>>) target_semaphore(%dma_start3A_938 : memref<!tpu.dma_semaphore, #tpu.memory_space<semaphore_mem>>)
      %dma_wait3A_946 = arith.constant 0 : i32
      %dma_wait3A_947 = arith.constant 0 : i32
      %dma_wait3A_948 = arith.constant 0 : i32
      %dma_wait3A_949 = arith.constant 0 : i32
      %dma_wait3A_950 = arith.constant 0 : i32
      %dma_wait3A_951 = tpu.memref_slice %arg6[%dma_wait3A_946, %dma_wait3A_949, %dma_wait3A_950] : memref<10x64x128xf32, #tpu.memory_space<vmem>> -> memref<1x64x128xf32, #tpu.memory_space<vmem>>
      %dma_wait3A_952 = tpu.memref_squeeze %dma_wait3A_951 : memref<1x64x128xf32, #tpu.memory_space<vmem>> -> memref<64x128xf32, #tpu.memory_space<vmem>>
      %dma_wait3A_953 = arith.constant 0 : i32
      %dma_wait3A_954 = tpu.memref_slice %arg4[%dma_wait3A_947, %mul3A_2, %dma_wait3A_953] : memref<50x4096x128xf32, #tpu.memory_space<hbm>> -> memref<1x64x128xf32, #tpu.memory_space<hbm>>
      %dma_wait3A_955 = tpu.memref_squeeze %dma_wait3A_954 : memref<1x64x128xf32, #tpu.memory_space<hbm>> -> memref<64x128xf32, #tpu.memory_space<hbm>>
      %dma_wait3A_956 = tpu.memref_slice %arg8[%dma_wait3A_948] : memref<10x!tpu.dma_semaphore, #tpu.memory_space<semaphore_mem>> -> memref<1x!tpu.dma_semaphore, #tpu.memory_space<semaphore_mem>>
      %dma_wait3A_957 = tpu.memref_squeeze %dma_wait3A_956 : memref<1x!tpu.dma_semaphore, #tpu.memory_space<semaphore_mem>> -> memref<!tpu.dma_semaphore, #tpu.memory_space<semaphore_mem>>
      %dma_wait3A_958 = arith.constant 0 : i32
      %dma_wait3A_959 = tpu.memref_slice %arg4[%dma_wait3A_947, %mul3A_2, %dma_wait3A_958] : memref<50x4096x128xf32, #tpu.memory_space<hbm>> -> memref<1x64x128xf32, #tpu.memory_space<hbm>>
      %dma_wait3A_960 = tpu.memref_squeeze %dma_wait3A_959 : memref<1x64x128xf32, #tpu.memory_space<hbm>> -> memref<64x128xf32, #tpu.memory_space<hbm>>
      %dma_wait3A_961 = arith.constant 0 : i32
      %dma_wait3A_962 = arith.constant 0 : i32
      %dma_wait3A_963 = tpu.memref_slice %arg6[%dma_wait3A_946, %dma_wait3A_961, %dma_wait3A_962] : memref<10x64x128xf32, #tpu.memory_space<vmem>> -> memref<1x64x128xf32, #tpu.memory_space<vmem>>
      %dma_wait3A_964 = tpu.memref_squeeze %dma_wait3A_963 : memref<1x64x128xf32, #tpu.memory_space<vmem>> -> memref<64x128xf32, #tpu.memory_space<vmem>>
      tpu.wait_dma2 semaphore(%dma_wait3A_957 : memref<!tpu.dma_semaphore, #tpu.memory_space<semaphore_mem>>) src(%dma_wait3A_964 : memref<64x128xf32, #tpu.memory_space<vmem>>) dst(%dma_wait3A_960 : memref<64x128xf32, #tpu.memory_space<hbm>>)
      %add3A_965 = arith.constant 1 : i32
      %add3A_966 = arith.addi %scan3A_156, %add3A_965 : i32
      %mul3A_967 = arith.constant 10 : i32
      %mul3A_968 = arith.muli %add3A_966, %mul3A_967 : i32
      %add3A_969 = arith.constant 0 : i32
      %add3A_970 = arith.addi %mul3A_968, %add3A_969 : i32
      %lt3A_971 = arith.constant 9 : i32
      %lt3A_972 = arith.cmpi slt, %scan3A_156, %lt3A_971 : i32
      %convert_element_type3A = arith.extui %lt3A_972 : i1 to i32
      %cond3A = arith.constant 0 : i32
      %cond3A_973 = arith.cmpi ne, %convert_element_type3A, %cond3A : i32
      scf.if %cond3A_973 {
        %jit3A_1244 = arith.constant 2 : i32
        %div3A_1245 = arith.divsi %add3A_970, %jit3A_1244 : i32
        %sign3A_1246 = arith.constant 0 : i32
        %sign3A_1247 = arith.cmpi sgt, %add3A_970, %sign3A_1246 : i32
        %sign3A_1248 = arith.extui %sign3A_1247 : i1 to i32
        %sign3A_1249 = arith.constant 0 : i32
        %sign3A_1250 = arith.cmpi slt, %add3A_970, %sign3A_1249 : i32
        %sign3A_1251 = arith.extui %sign3A_1250 : i1 to i32
        %sign3A_1252 = arith.subi %sign3A_1248, %sign3A_1251 : i32
        %sign3A_1253 = arith.constant 0 : i32
        %sign3A_1254 = arith.cmpi sgt, %jit3A_1244, %sign3A_1253 : i32
        %sign3A_1255 = arith.extui %sign3A_1254 : i1 to i32
        %sign3A_1256 = arith.constant 0 : i32
        %sign3A_1257 = arith.cmpi slt, %jit3A_1244, %sign3A_1256 : i32
        %sign3A_1258 = arith.extui %sign3A_1257 : i1 to i32
        %sign3A_1259 = arith.subi %sign3A_1255, %sign3A_1258 : i32
        %ne3A_1260 = arith.cmpi ne, %sign3A_1252, %sign3A_1259 : i32
        %rem3A_1261 = arith.remsi %add3A_970, %jit3A_1244 : i32
        %ne3A_1262 = arith.constant 0 : i32
        %ne3A_1263 = arith.cmpi ne, %rem3A_1261, %ne3A_1262 : i32
        %and3A_1264 = arith.andi %ne3A_1260, %ne3A_1263 : i1
        %sub3A_1265 = arith.constant 1 : i32
        %sub3A_1266 = arith.subi %div3A_1245, %sub3A_1265 : i32
        %select_n3A_1267 = arith.select %and3A_1264, %sub3A_1266, %div3A_1245 : i32
        %jit3A_1268 = arith.constant 2 : i32
        %eq3A_1269 = arith.constant 0 : i32
        %eq3A_1270 = arith.cmpi eq, %jit3A_1268, %eq3A_1269 : i32
        %jit3A_1271 = arith.constant 1 : i32
        %select_n3A_1272 = arith.select %eq3A_1270, %jit3A_1271, %jit3A_1268 : i32
        %rem3A_1273 = arith.remsi %add3A_970, %select_n3A_1272 : i32
        %ne3A_1274 = arith.constant 0 : i32
        %ne3A_1275 = arith.cmpi ne, %rem3A_1273, %ne3A_1274 : i32
        %lt3A_1276 = arith.constant 0 : i32
        %lt3A_1277 = arith.cmpi slt, %rem3A_1273, %lt3A_1276 : i32
        %lt3A_1278 = arith.constant 0 : i32
        %lt3A_1279 = arith.cmpi slt, %select_n3A_1272, %lt3A_1278 : i32
        %ne3A_1280 = arith.xori %lt3A_1277, %lt3A_1279 : i1
        %and3A_1281 = arith.andi %ne3A_1280, %ne3A_1275 : i1
        %add3A_1282 = arith.addi %rem3A_1273, %select_n3A_1272 : i32
        %select_n3A_1283 = arith.select %and3A_1281, %add3A_1282, %rem3A_1273 : i32
        %mul3A_1284 = arith.constant 64 : i32
        %mul3A_1285 = arith.muli %select_n3A_1283, %mul3A_1284 : i32
        %dma_start3A_1286 = arith.constant 0 : i32
        %dma_start3A_1287 = arith.constant 0 : i32
        %dma_start3A_1288 = arith.constant 0 : i32
        %dma_start3A_1289 = arith.constant 0 : i32
        %dma_start3A_1290 = tpu.memref_slice %arg6[%dma_start3A_1286, %dma_start3A_1288, %dma_start3A_1289] : memref<10x64x128xf32, #tpu.memory_space<vmem>> -> memref<1x64x128xf32, #tpu.memory_space<vmem>>
        %dma_start3A_1291 = tpu.memref_squeeze %dma_start3A_1290 : memref<1x64x128xf32, #tpu.memory_space<vmem>> -> memref<64x128xf32, #tpu.memory_space<vmem>>
        %dma_start3A_1292 = tpu.memref_slice %arg5[%select_n3A_1267, %mul3A_1285] : memref<50x128xi32, #tpu.memory_space<vmem>> -> memref<1x64xi32, #tpu.memory_space<vmem>>
        %dma_start3A_1293 = tpu.memref_squeeze %dma_start3A_1292 : memref<1x64xi32, #tpu.memory_space<vmem>> -> memref<64xi32, #tpu.memory_space<vmem>>
        %dma_start3A_1294 = arith.constant 0 : i32
        %dma_start3A_1295 = arith.constant 0 : i32
        %dma_start3A_1296 = tpu.memref_slice %arg3[%dma_start3A_1294, %dma_start3A_1295] : memref<100000x128xf32, #tpu.memory_space<hbm>> -> memref<100000x128xf32, #tpu.memory_space<hbm>>
        %dma_start3A_1297 = tpu.memref_slice %arg7[%dma_start3A_1287] : memref<10x!tpu.dma_semaphore, #tpu.memory_space<semaphore_mem>> -> memref<1x!tpu.dma_semaphore, #tpu.memory_space<semaphore_mem>>
        %dma_start3A_1298 = tpu.memref_squeeze %dma_start3A_1297 : memref<1x!tpu.dma_semaphore, #tpu.memory_space<semaphore_mem>> -> memref<!tpu.dma_semaphore, #tpu.memory_space<semaphore_mem>>
        tpu.enqueue_indirect_dma source(%dma_start3A_1296 : memref<100000x128xf32, #tpu.memory_space<hbm>>) target(%dma_start3A_1291 : memref<64x128xf32, #tpu.memory_space<vmem>>) offsets(%dma_start3A_1293 : memref<64xi32, #tpu.memory_space<vmem>>) semaphore(%dma_start3A_1298 : memref<!tpu.dma_semaphore, #tpu.memory_space<semaphore_mem>>)
      } else {
      }
      %dma_wait3A_974 = arith.constant 1 : i32
      %dma_wait3A_975 = arith.constant 0 : i32
      %dma_wait3A_976 = arith.constant 1 : i32
      %dma_wait3A_977 = arith.constant 0 : i32
      %dma_wait3A_978 = arith.constant 0 : i32
      %dma_wait3A_979 = tpu.memref_slice %arg6[%dma_wait3A_974, %dma_wait3A_977, %dma_wait3A_978] : memref<10x64x128xf32, #tpu.memory_space<vmem>> -> memref<1x64x128xf32, #tpu.memory_space<vmem>>
      %dma_wait3A_980 = tpu.memref_squeeze %dma_wait3A_979 : memref<1x64x128xf32, #tpu.memory_space<vmem>> -> memref<64x128xf32, #tpu.memory_space<vmem>>
      %dma_wait3A_981 = arith.constant 0 : i32
      %dma_wait3A_982 = tpu.memref_slice %arg4[%dma_wait3A_975, %mul3A_2, %dma_wait3A_981] : memref<50x4096x128xf32, #tpu.memory_space<hbm>> -> memref<1x64x128xf32, #tpu.memory_space<hbm>>
      %dma_wait3A_983 = tpu.memref_squeeze %dma_wait3A_982 : memref<1x64x128xf32, #tpu.memory_space<hbm>> -> memref<64x128xf32, #tpu.memory_space<hbm>>
      %dma_wait3A_984 = tpu.memref_slice %arg8[%dma_wait3A_976] : memref<10x!tpu.dma_semaphore, #tpu.memory_space<semaphore_mem>> -> memref<1x!tpu.dma_semaphore, #tpu.memory_space<semaphore_mem>>
      %dma_wait3A_985 = tpu.memref_squeeze %dma_wait3A_984 : memref<1x!tpu.dma_semaphore, #tpu.memory_space<semaphore_mem>> -> memref<!tpu.dma_semaphore, #tpu.memory_space<semaphore_mem>>
      %dma_wait3A_986 = arith.constant 0 : i32
      %dma_wait3A_987 = tpu.memref_slice %arg4[%dma_wait3A_975, %mul3A_2, %dma_wait3A_986] : memref<50x4096x128xf32, #tpu.memory_space<hbm>> -> memref<1x64x128xf32, #tpu.memory_space<hbm>>
      %dma_wait3A_988 = tpu.memref_squeeze %dma_wait3A_987 : memref<1x64x128xf32, #tpu.memory_space<hbm>> -> memref<64x128xf32, #tpu.memory_space<hbm>>
      %dma_wait3A_989 = arith.constant 0 : i32
      %dma_wait3A_990 = arith.constant 0 : i32
      %dma_wait3A_991 = tpu.memref_slice %arg6[%dma_wait3A_974, %dma_wait3A_989, %dma_wait3A_990] : memref<10x64x128xf32, #tpu.memory_space<vmem>> -> memref<1x64x128xf32, #tpu.memory_space<vmem>>
      %dma_wait3A_992 = tpu.memref_squeeze %dma_wait3A_991 : memref<1x64x128xf32, #tpu.memory_space<vmem>> -> memref<64x128xf32, #tpu.memory_space<vmem>>
      tpu.wait_dma2 semaphore(%dma_wait3A_985 : memref<!tpu.dma_semaphore, #tpu.memory_space<semaphore_mem>>) src(%dma_wait3A_992 : memref<64x128xf32, #tpu.memory_space<vmem>>) dst(%dma_wait3A_988 : memref<64x128xf32, #tpu.memory_space<hbm>>)
      %add3A_993 = arith.constant 1 : i32
      %add3A_994 = arith.addi %scan3A_156, %add3A_993 : i32
      %mul3A_995 = arith.constant 10 : i32
      %mul3A_996 = arith.muli %add3A_994, %mul3A_995 : i32
      %add3A_997 = arith.constant 1 : i32
      %add3A_998 = arith.addi %mul3A_996, %add3A_997 : i32
      %lt3A_999 = arith.constant 9 : i32
      %lt3A_1000 = arith.cmpi slt, %scan3A_156, %lt3A_999 : i32
      %convert_element_type3A_1001 = arith.extui %lt3A_1000 : i1 to i32
      %cond3A_1002 = arith.constant 0 : i32
      %cond3A_1003 = arith.cmpi ne, %convert_element_type3A_1001, %cond3A_1002 : i32
      scf.if %cond3A_1003 {
        %jit3A_1244 = arith.constant 2 : i32
        %div3A_1245 = arith.divsi %add3A_998, %jit3A_1244 : i32
        %sign3A_1246 = arith.constant 0 : i32
        %sign3A_1247 = arith.cmpi sgt, %add3A_998, %sign3A_1246 : i32
        %sign3A_1248 = arith.extui %sign3A_1247 : i1 to i32
        %sign3A_1249 = arith.constant 0 : i32
        %sign3A_1250 = arith.cmpi slt, %add3A_998, %sign3A_1249 : i32
        %sign3A_1251 = arith.extui %sign3A_1250 : i1 to i32
        %sign3A_1252 = arith.subi %sign3A_1248, %sign3A_1251 : i32
        %sign3A_1253 = arith.constant 0 : i32
        %sign3A_1254 = arith.cmpi sgt, %jit3A_1244, %sign3A_1253 : i32
        %sign3A_1255 = arith.extui %sign3A_1254 : i1 to i32
        %sign3A_1256 = arith.constant 0 : i32
        %sign3A_1257 = arith.cmpi slt, %jit3A_1244, %sign3A_1256 : i32
        %sign3A_1258 = arith.extui %sign3A_1257 : i1 to i32
        %sign3A_1259 = arith.subi %sign3A_1255, %sign3A_1258 : i32
        %ne3A_1260 = arith.cmpi ne, %sign3A_1252, %sign3A_1259 : i32
        %rem3A_1261 = arith.remsi %add3A_998, %jit3A_1244 : i32
        %ne3A_1262 = arith.constant 0 : i32
        %ne3A_1263 = arith.cmpi ne, %rem3A_1261, %ne3A_1262 : i32
        %and3A_1264 = arith.andi %ne3A_1260, %ne3A_1263 : i1
        %sub3A_1265 = arith.constant 1 : i32
        %sub3A_1266 = arith.subi %div3A_1245, %sub3A_1265 : i32
        %select_n3A_1267 = arith.select %and3A_1264, %sub3A_1266, %div3A_1245 : i32
        %jit3A_1268 = arith.constant 2 : i32
        %eq3A_1269 = arith.constant 0 : i32
        %eq3A_1270 = arith.cmpi eq, %jit3A_1268, %eq3A_1269 : i32
        %jit3A_1271 = arith.constant 1 : i32
        %select_n3A_1272 = arith.select %eq3A_1270, %jit3A_1271, %jit3A_1268 : i32
        %rem3A_1273 = arith.remsi %add3A_998, %select_n3A_1272 : i32
        %ne3A_1274 = arith.constant 0 : i32
        %ne3A_1275 = arith.cmpi ne, %rem3A_1273, %ne3A_1274 : i32
        %lt3A_1276 = arith.constant 0 : i32
        %lt3A_1277 = arith.cmpi slt, %rem3A_1273, %lt3A_1276 : i32
        %lt3A_1278 = arith.constant 0 : i32
        %lt3A_1279 = arith.cmpi slt, %select_n3A_1272, %lt3A_1278 : i32
        %ne3A_1280 = arith.xori %lt3A_1277, %lt3A_1279 : i1
        %and3A_1281 = arith.andi %ne3A_1280, %ne3A_1275 : i1
        %add3A_1282 = arith.addi %rem3A_1273, %select_n3A_1272 : i32
        %select_n3A_1283 = arith.select %and3A_1281, %add3A_1282, %rem3A_1273 : i32
        %mul3A_1284 = arith.constant 64 : i32
        %mul3A_1285 = arith.muli %select_n3A_1283, %mul3A_1284 : i32
        %dma_start3A_1286 = arith.constant 1 : i32
        %dma_start3A_1287 = arith.constant 1 : i32
        %dma_start3A_1288 = arith.constant 0 : i32
        %dma_start3A_1289 = arith.constant 0 : i32
        %dma_start3A_1290 = tpu.memref_slice %arg6[%dma_start3A_1286, %dma_start3A_1288, %dma_start3A_1289] : memref<10x64x128xf32, #tpu.memory_space<vmem>> -> memref<1x64x128xf32, #tpu.memory_space<vmem>>
        %dma_start3A_1291 = tpu.memref_squeeze %dma_start3A_1290 : memref<1x64x128xf32, #tpu.memory_space<vmem>> -> memref<64x128xf32, #tpu.memory_space<vmem>>
        %dma_start3A_1292 = tpu.memref_slice %arg5[%select_n3A_1267, %mul3A_1285] : memref<50x128xi32, #tpu.memory_space<vmem>> -> memref<1x64xi32, #tpu.memory_space<vmem>>
        %dma_start3A_1293 = tpu.memref_squeeze %dma_start3A_1292 : memref<1x64xi32, #tpu.memory_space<vmem>> -> memref<64xi32, #tpu.memory_space<vmem>>
        %dma_start3A_1294 = arith.constant 0 : i32
        %dma_start3A_1295 = arith.constant 0 : i32
        %dma_start3A_1296 = tpu.memref_slice %arg3[%dma_start3A_1294, %dma_start3A_1295] : memref<100000x128xf32, #tpu.memory_space<hbm>> -> memref<100000x128xf32, #tpu.memory_space<hbm>>
        %dma_start3A_1297 = tpu.memref_slice %arg7[%dma_start3A_1287] : memref<10x!tpu.dma_semaphore, #tpu.memory_space<semaphore_mem>> -> memref<1x!tpu.dma_semaphore, #tpu.memory_space<semaphore_mem>>
        %dma_start3A_1298 = tpu.memref_squeeze %dma_start3A_1297 : memref<1x!tpu.dma_semaphore, #tpu.memory_space<semaphore_mem>> -> memref<!tpu.dma_semaphore, #tpu.memory_space<semaphore_mem>>
        tpu.enqueue_indirect_dma source(%dma_start3A_1296 : memref<100000x128xf32, #tpu.memory_space<hbm>>) target(%dma_start3A_1291 : memref<64x128xf32, #tpu.memory_space<vmem>>) offsets(%dma_start3A_1293 : memref<64xi32, #tpu.memory_space<vmem>>) semaphore(%dma_start3A_1298 : memref<!tpu.dma_semaphore, #tpu.memory_space<semaphore_mem>>)
      } else {
      }
      %dma_wait3A_1004 = arith.constant 2 : i32
      %dma_wait3A_1005 = arith.constant 0 : i32
      %dma_wait3A_1006 = arith.constant 2 : i32
      %dma_wait3A_1007 = arith.constant 0 : i32
      %dma_wait3A_1008 = arith.constant 0 : i32
      %dma_wait3A_1009 = tpu.memref_slice %arg6[%dma_wait3A_1004, %dma_wait3A_1007, %dma_wait3A_1008] : memref<10x64x128xf32, #tpu.memory_space<vmem>> -> memref<1x64x128xf32, #tpu.memory_space<vmem>>
      %dma_wait3A_1010 = tpu.memref_squeeze %dma_wait3A_1009 : memref<1x64x128xf32, #tpu.memory_space<vmem>> -> memref<64x128xf32, #tpu.memory_space<vmem>>
      %dma_wait3A_1011 = arith.constant 0 : i32
      %dma_wait3A_1012 = tpu.memref_slice %arg4[%dma_wait3A_1005, %mul3A_2, %dma_wait3A_1011] : memref<50x4096x128xf32, #tpu.memory_space<hbm>> -> memref<1x64x128xf32, #tpu.memory_space<hbm>>
      %dma_wait3A_1013 = tpu.memref_squeeze %dma_wait3A_1012 : memref<1x64x128xf32, #tpu.memory_space<hbm>> -> memref<64x128xf32, #tpu.memory_space<hbm>>
      %dma_wait3A_1014 = tpu.memref_slice %arg8[%dma_wait3A_1006] : memref<10x!tpu.dma_semaphore, #tpu.memory_space<semaphore_mem>> -> memref<1x!tpu.dma_semaphore, #tpu.memory_space<semaphore_mem>>
      %dma_wait3A_1015 = tpu.memref_squeeze %dma_wait3A_1014 : memref<1x!tpu.dma_semaphore, #tpu.memory_space<semaphore_mem>> -> memref<!tpu.dma_semaphore, #tpu.memory_space<semaphore_mem>>
      %dma_wait3A_1016 = arith.constant 0 : i32
      %dma_wait3A_1017 = tpu.memref_slice %arg4[%dma_wait3A_1005, %mul3A_2, %dma_wait3A_1016] : memref<50x4096x128xf32, #tpu.memory_space<hbm>> -> memref<1x64x128xf32, #tpu.memory_space<hbm>>
      %dma_wait3A_1018 = tpu.memref_squeeze %dma_wait3A_1017 : memref<1x64x128xf32, #tpu.memory_space<hbm>> -> memref<64x128xf32, #tpu.memory_space<hbm>>
      %dma_wait3A_1019 = arith.constant 0 : i32
      %dma_wait3A_1020 = arith.constant 0 : i32
      %dma_wait3A_1021 = tpu.memref_slice %arg6[%dma_wait3A_1004, %dma_wait3A_1019, %dma_wait3A_1020] : memref<10x64x128xf32, #tpu.memory_space<vmem>> -> memref<1x64x128xf32, #tpu.memory_space<vmem>>
      %dma_wait3A_1022 = tpu.memref_squeeze %dma_wait3A_1021 : memref<1x64x128xf32, #tpu.memory_space<vmem>> -> memref<64x128xf32, #tpu.memory_space<vmem>>
      tpu.wait_dma2 semaphore(%dma_wait3A_1015 : memref<!tpu.dma_semaphore, #tpu.memory_space<semaphore_mem>>) src(%dma_wait3A_1022 : memref<64x128xf32, #tpu.memory_space<vmem>>) dst(%dma_wait3A_1018 : memref<64x128xf32, #tpu.memory_space<hbm>>)
      %add3A_1023 = arith.constant 1 : i32
      %add3A_1024 = arith.addi %scan3A_156, %add3A_1023 : i32
      %mul3A_1025 = arith.constant 10 : i32
      %mul3A_1026 = arith.muli %add3A_1024, %mul3A_1025 : i32
      %add3A_1027 = arith.constant 2 : i32
      %add3A_1028 = arith.addi %mul3A_1026, %add3A_1027 : i32
      %lt3A_1029 = arith.constant 9 : i32
      %lt3A_1030 = arith.cmpi slt, %scan3A_156, %lt3A_1029 : i32
      %convert_element_type3A_1031 = arith.extui %lt3A_1030 : i1 to i32
      %cond3A_1032 = arith.constant 0 : i32
      %cond3A_1033 = arith.cmpi ne, %convert_element_type3A_1031, %cond3A_1032 : i32
      scf.if %cond3A_1033 {
        %jit3A_1244 = arith.constant 2 : i32
        %div3A_1245 = arith.divsi %add3A_1028, %jit3A_1244 : i32
        %sign3A_1246 = arith.constant 0 : i32
        %sign3A_1247 = arith.cmpi sgt, %add3A_1028, %sign3A_1246 : i32
        %sign3A_1248 = arith.extui %sign3A_1247 : i1 to i32
        %sign3A_1249 = arith.constant 0 : i32
        %sign3A_1250 = arith.cmpi slt, %add3A_1028, %sign3A_1249 : i32
        %sign3A_1251 = arith.extui %sign3A_1250 : i1 to i32
        %sign3A_1252 = arith.subi %sign3A_1248, %sign3A_1251 : i32
        %sign3A_1253 = arith.constant 0 : i32
        %sign3A_1254 = arith.cmpi sgt, %jit3A_1244, %sign3A_1253 : i32
        %sign3A_1255 = arith.extui %sign3A_1254 : i1 to i32
        %sign3A_1256 = arith.constant 0 : i32
        %sign3A_1257 = arith.cmpi slt, %jit3A_1244, %sign3A_1256 : i32
        %sign3A_1258 = arith.extui %sign3A_1257 : i1 to i32
        %sign3A_1259 = arith.subi %sign3A_1255, %sign3A_1258 : i32
        %ne3A_1260 = arith.cmpi ne, %sign3A_1252, %sign3A_1259 : i32
        %rem3A_1261 = arith.remsi %add3A_1028, %jit3A_1244 : i32
        %ne3A_1262 = arith.constant 0 : i32
        %ne3A_1263 = arith.cmpi ne, %rem3A_1261, %ne3A_1262 : i32
        %and3A_1264 = arith.andi %ne3A_1260, %ne3A_1263 : i1
        %sub3A_1265 = arith.constant 1 : i32
        %sub3A_1266 = arith.subi %div3A_1245, %sub3A_1265 : i32
        %select_n3A_1267 = arith.select %and3A_1264, %sub3A_1266, %div3A_1245 : i32
        %jit3A_1268 = arith.constant 2 : i32
        %eq3A_1269 = arith.constant 0 : i32
        %eq3A_1270 = arith.cmpi eq, %jit3A_1268, %eq3A_1269 : i32
        %jit3A_1271 = arith.constant 1 : i32
        %select_n3A_1272 = arith.select %eq3A_1270, %jit3A_1271, %jit3A_1268 : i32
        %rem3A_1273 = arith.remsi %add3A_1028, %select_n3A_1272 : i32
        %ne3A_1274 = arith.constant 0 : i32
        %ne3A_1275 = arith.cmpi ne, %rem3A_1273, %ne3A_1274 : i32
        %lt3A_1276 = arith.constant 0 : i32
        %lt3A_1277 = arith.cmpi slt, %rem3A_1273, %lt3A_1276 : i32
        %lt3A_1278 = arith.constant 0 : i32
        %lt3A_1279 = arith.cmpi slt, %select_n3A_1272, %lt3A_1278 : i32
        %ne3A_1280 = arith.xori %lt3A_1277, %lt3A_1279 : i1
        %and3A_1281 = arith.andi %ne3A_1280, %ne3A_1275 : i1
        %add3A_1282 = arith.addi %rem3A_1273, %select_n3A_1272 : i32
        %select_n3A_1283 = arith.select %and3A_1281, %add3A_1282, %rem3A_1273 : i32
        %mul3A_1284 = arith.constant 64 : i32
        %mul3A_1285 = arith.muli %select_n3A_1283, %mul3A_1284 : i32
        %dma_start3A_1286 = arith.constant 2 : i32
        %dma_start3A_1287 = arith.constant 2 : i32
        %dma_start3A_1288 = arith.constant 0 : i32
        %dma_start3A_1289 = arith.constant 0 : i32
        %dma_start3A_1290 = tpu.memref_slice %arg6[%dma_start3A_1286, %dma_start3A_1288, %dma_start3A_1289] : memref<10x64x128xf32, #tpu.memory_space<vmem>> -> memref<1x64x128xf32, #tpu.memory_space<vmem>>
        %dma_start3A_1291 = tpu.memref_squeeze %dma_start3A_1290 : memref<1x64x128xf32, #tpu.memory_space<vmem>> -> memref<64x128xf32, #tpu.memory_space<vmem>>
        %dma_start3A_1292 = tpu.memref_slice %arg5[%select_n3A_1267, %mul3A_1285] : memref<50x128xi32, #tpu.memory_space<vmem>> -> memref<1x64xi32, #tpu.memory_space<vmem>>
        %dma_start3A_1293 = tpu.memref_squeeze %dma_start3A_1292 : memref<1x64xi32, #tpu.memory_space<vmem>> -> memref<64xi32, #tpu.memory_space<vmem>>
        %dma_start3A_1294 = arith.constant 0 : i32
        %dma_start3A_1295 = arith.constant 0 : i32
        %dma_start3A_1296 = tpu.memref_slice %arg3[%dma_start3A_1294, %dma_start3A_1295] : memref<100000x128xf32, #tpu.memory_space<hbm>> -> memref<100000x128xf32, #tpu.memory_space<hbm>>
        %dma_start3A_1297 = tpu.memref_slice %arg7[%dma_start3A_1287] : memref<10x!tpu.dma_semaphore, #tpu.memory_space<semaphore_mem>> -> memref<1x!tpu.dma_semaphore, #tpu.memory_space<semaphore_mem>>
        %dma_start3A_1298 = tpu.memref_squeeze %dma_start3A_1297 : memref<1x!tpu.dma_semaphore, #tpu.memory_space<semaphore_mem>> -> memref<!tpu.dma_semaphore, #tpu.memory_space<semaphore_mem>>
        tpu.enqueue_indirect_dma source(%dma_start3A_1296 : memref<100000x128xf32, #tpu.memory_space<hbm>>) target(%dma_start3A_1291 : memref<64x128xf32, #tpu.memory_space<vmem>>) offsets(%dma_start3A_1293 : memref<64xi32, #tpu.memory_space<vmem>>) semaphore(%dma_start3A_1298 : memref<!tpu.dma_semaphore, #tpu.memory_space<semaphore_mem>>)
      } else {
      }
      %dma_wait3A_1034 = arith.constant 3 : i32
      %dma_wait3A_1035 = arith.constant 0 : i32
      %dma_wait3A_1036 = arith.constant 3 : i32
      %dma_wait3A_1037 = arith.constant 0 : i32
      %dma_wait3A_1038 = arith.constant 0 : i32
      %dma_wait3A_1039 = tpu.memref_slice %arg6[%dma_wait3A_1034, %dma_wait3A_1037, %dma_wait3A_1038] : memref<10x64x128xf32, #tpu.memory_space<vmem>> -> memref<1x64x128xf32, #tpu.memory_space<vmem>>
      %dma_wait3A_1040 = tpu.memref_squeeze %dma_wait3A_1039 : memref<1x64x128xf32, #tpu.memory_space<vmem>> -> memref<64x128xf32, #tpu.memory_space<vmem>>
      %dma_wait3A_1041 = arith.constant 0 : i32
      %dma_wait3A_1042 = tpu.memref_slice %arg4[%dma_wait3A_1035, %mul3A_2, %dma_wait3A_1041] : memref<50x4096x128xf32, #tpu.memory_space<hbm>> -> memref<1x64x128xf32, #tpu.memory_space<hbm>>
      %dma_wait3A_1043 = tpu.memref_squeeze %dma_wait3A_1042 : memref<1x64x128xf32, #tpu.memory_space<hbm>> -> memref<64x128xf32, #tpu.memory_space<hbm>>
      %dma_wait3A_1044 = tpu.memref_slice %arg8[%dma_wait3A_1036] : memref<10x!tpu.dma_semaphore, #tpu.memory_space<semaphore_mem>> -> memref<1x!tpu.dma_semaphore, #tpu.memory_space<semaphore_mem>>
      %dma_wait3A_1045 = tpu.memref_squeeze %dma_wait3A_1044 : memref<1x!tpu.dma_semaphore, #tpu.memory_space<semaphore_mem>> -> memref<!tpu.dma_semaphore, #tpu.memory_space<semaphore_mem>>
      %dma_wait3A_1046 = arith.constant 0 : i32
      %dma_wait3A_1047 = tpu.memref_slice %arg4[%dma_wait3A_1035, %mul3A_2, %dma_wait3A_1046] : memref<50x4096x128xf32, #tpu.memory_space<hbm>> -> memref<1x64x128xf32, #tpu.memory_space<hbm>>
      %dma_wait3A_1048 = tpu.memref_squeeze %dma_wait3A_1047 : memref<1x64x128xf32, #tpu.memory_space<hbm>> -> memref<64x128xf32, #tpu.memory_space<hbm>>
      %dma_wait3A_1049 = arith.constant 0 : i32
      %dma_wait3A_1050 = arith.constant 0 : i32
      %dma_wait3A_1051 = tpu.memref_slice %arg6[%dma_wait3A_1034, %dma_wait3A_1049, %dma_wait3A_1050] : memref<10x64x128xf32, #tpu.memory_space<vmem>> -> memref<1x64x128xf32, #tpu.memory_space<vmem>>
      %dma_wait3A_1052 = tpu.memref_squeeze %dma_wait3A_1051 : memref<1x64x128xf32, #tpu.memory_space<vmem>> -> memref<64x128xf32, #tpu.memory_space<vmem>>
      tpu.wait_dma2 semaphore(%dma_wait3A_1045 : memref<!tpu.dma_semaphore, #tpu.memory_space<semaphore_mem>>) src(%dma_wait3A_1052 : memref<64x128xf32, #tpu.memory_space<vmem>>) dst(%dma_wait3A_1048 : memref<64x128xf32, #tpu.memory_space<hbm>>)
      %add3A_1053 = arith.constant 1 : i32
      %add3A_1054 = arith.addi %scan3A_156, %add3A_1053 : i32
      %mul3A_1055 = arith.constant 10 : i32
      %mul3A_1056 = arith.muli %add3A_1054, %mul3A_1055 : i32
      %add3A_1057 = arith.constant 3 : i32
      %add3A_1058 = arith.addi %mul3A_1056, %add3A_1057 : i32
      %lt3A_1059 = arith.constant 9 : i32
      %lt3A_1060 = arith.cmpi slt, %scan3A_156, %lt3A_1059 : i32
      %convert_element_type3A_1061 = arith.extui %lt3A_1060 : i1 to i32
      %cond3A_1062 = arith.constant 0 : i32
      %cond3A_1063 = arith.cmpi ne, %convert_element_type3A_1061, %cond3A_1062 : i32
      scf.if %cond3A_1063 {
        %jit3A_1244 = arith.constant 2 : i32
        %div3A_1245 = arith.divsi %add3A_1058, %jit3A_1244 : i32
        %sign3A_1246 = arith.constant 0 : i32
        %sign3A_1247 = arith.cmpi sgt, %add3A_1058, %sign3A_1246 : i32
        %sign3A_1248 = arith.extui %sign3A_1247 : i1 to i32
        %sign3A_1249 = arith.constant 0 : i32
        %sign3A_1250 = arith.cmpi slt, %add3A_1058, %sign3A_1249 : i32
        %sign3A_1251 = arith.extui %sign3A_1250 : i1 to i32
        %sign3A_1252 = arith.subi %sign3A_1248, %sign3A_1251 : i32
        %sign3A_1253 = arith.constant 0 : i32
        %sign3A_1254 = arith.cmpi sgt, %jit3A_1244, %sign3A_1253 : i32
        %sign3A_1255 = arith.extui %sign3A_1254 : i1 to i32
        %sign3A_1256 = arith.constant 0 : i32
        %sign3A_1257 = arith.cmpi slt, %jit3A_1244, %sign3A_1256 : i32
        %sign3A_1258 = arith.extui %sign3A_1257 : i1 to i32
        %sign3A_1259 = arith.subi %sign3A_1255, %sign3A_1258 : i32
        %ne3A_1260 = arith.cmpi ne, %sign3A_1252, %sign3A_1259 : i32
        %rem3A_1261 = arith.remsi %add3A_1058, %jit3A_1244 : i32
        %ne3A_1262 = arith.constant 0 : i32
        %ne3A_1263 = arith.cmpi ne, %rem3A_1261, %ne3A_1262 : i32
        %and3A_1264 = arith.andi %ne3A_1260, %ne3A_1263 : i1
        %sub3A_1265 = arith.constant 1 : i32
        %sub3A_1266 = arith.subi %div3A_1245, %sub3A_1265 : i32
        %select_n3A_1267 = arith.select %and3A_1264, %sub3A_1266, %div3A_1245 : i32
        %jit3A_1268 = arith.constant 2 : i32
        %eq3A_1269 = arith.constant 0 : i32
        %eq3A_1270 = arith.cmpi eq, %jit3A_1268, %eq3A_1269 : i32
        %jit3A_1271 = arith.constant 1 : i32
        %select_n3A_1272 = arith.select %eq3A_1270, %jit3A_1271, %jit3A_1268 : i32
        %rem3A_1273 = arith.remsi %add3A_1058, %select_n3A_1272 : i32
        %ne3A_1274 = arith.constant 0 : i32
        %ne3A_1275 = arith.cmpi ne, %rem3A_1273, %ne3A_1274 : i32
        %lt3A_1276 = arith.constant 0 : i32
        %lt3A_1277 = arith.cmpi slt, %rem3A_1273, %lt3A_1276 : i32
        %lt3A_1278 = arith.constant 0 : i32
        %lt3A_1279 = arith.cmpi slt, %select_n3A_1272, %lt3A_1278 : i32
        %ne3A_1280 = arith.xori %lt3A_1277, %lt3A_1279 : i1
        %and3A_1281 = arith.andi %ne3A_1280, %ne3A_1275 : i1
        %add3A_1282 = arith.addi %rem3A_1273, %select_n3A_1272 : i32
        %select_n3A_1283 = arith.select %and3A_1281, %add3A_1282, %rem3A_1273 : i32
        %mul3A_1284 = arith.constant 64 : i32
        %mul3A_1285 = arith.muli %select_n3A_1283, %mul3A_1284 : i32
        %dma_start3A_1286 = arith.constant 3 : i32
        %dma_start3A_1287 = arith.constant 3 : i32
        %dma_start3A_1288 = arith.constant 0 : i32
        %dma_start3A_1289 = arith.constant 0 : i32
        %dma_start3A_1290 = tpu.memref_slice %arg6[%dma_start3A_1286, %dma_start3A_1288, %dma_start3A_1289] : memref<10x64x128xf32, #tpu.memory_space<vmem>> -> memref<1x64x128xf32, #tpu.memory_space<vmem>>
        %dma_start3A_1291 = tpu.memref_squeeze %dma_start3A_1290 : memref<1x64x128xf32, #tpu.memory_space<vmem>> -> memref<64x128xf32, #tpu.memory_space<vmem>>
        %dma_start3A_1292 = tpu.memref_slice %arg5[%select_n3A_1267, %mul3A_1285] : memref<50x128xi32, #tpu.memory_space<vmem>> -> memref<1x64xi32, #tpu.memory_space<vmem>>
        %dma_start3A_1293 = tpu.memref_squeeze %dma_start3A_1292 : memref<1x64xi32, #tpu.memory_space<vmem>> -> memref<64xi32, #tpu.memory_space<vmem>>
        %dma_start3A_1294 = arith.constant 0 : i32
        %dma_start3A_1295 = arith.constant 0 : i32
        %dma_start3A_1296 = tpu.memref_slice %arg3[%dma_start3A_1294, %dma_start3A_1295] : memref<100000x128xf32, #tpu.memory_space<hbm>> -> memref<100000x128xf32, #tpu.memory_space<hbm>>
        %dma_start3A_1297 = tpu.memref_slice %arg7[%dma_start3A_1287] : memref<10x!tpu.dma_semaphore, #tpu.memory_space<semaphore_mem>> -> memref<1x!tpu.dma_semaphore, #tpu.memory_space<semaphore_mem>>
        %dma_start3A_1298 = tpu.memref_squeeze %dma_start3A_1297 : memref<1x!tpu.dma_semaphore, #tpu.memory_space<semaphore_mem>> -> memref<!tpu.dma_semaphore, #tpu.memory_space<semaphore_mem>>
        tpu.enqueue_indirect_dma source(%dma_start3A_1296 : memref<100000x128xf32, #tpu.memory_space<hbm>>) target(%dma_start3A_1291 : memref<64x128xf32, #tpu.memory_space<vmem>>) offsets(%dma_start3A_1293 : memref<64xi32, #tpu.memory_space<vmem>>) semaphore(%dma_start3A_1298 : memref<!tpu.dma_semaphore, #tpu.memory_space<semaphore_mem>>)
      } else {
      }
      %dma_wait3A_1064 = arith.constant 4 : i32
      %dma_wait3A_1065 = arith.constant 0 : i32
      %dma_wait3A_1066 = arith.constant 4 : i32
      %dma_wait3A_1067 = arith.constant 0 : i32
      %dma_wait3A_1068 = arith.constant 0 : i32
      %dma_wait3A_1069 = tpu.memref_slice %arg6[%dma_wait3A_1064, %dma_wait3A_1067, %dma_wait3A_1068] : memref<10x64x128xf32, #tpu.memory_space<vmem>> -> memref<1x64x128xf32, #tpu.memory_space<vmem>>
      %dma_wait3A_1070 = tpu.memref_squeeze %dma_wait3A_1069 : memref<1x64x128xf32, #tpu.memory_space<vmem>> -> memref<64x128xf32, #tpu.memory_space<vmem>>
      %dma_wait3A_1071 = arith.constant 0 : i32
      %dma_wait3A_1072 = tpu.memref_slice %arg4[%dma_wait3A_1065, %mul3A_2, %dma_wait3A_1071] : memref<50x4096x128xf32, #tpu.memory_space<hbm>> -> memref<1x64x128xf32, #tpu.memory_space<hbm>>
      %dma_wait3A_1073 = tpu.memref_squeeze %dma_wait3A_1072 : memref<1x64x128xf32, #tpu.memory_space<hbm>> -> memref<64x128xf32, #tpu.memory_space<hbm>>
      %dma_wait3A_1074 = tpu.memref_slice %arg8[%dma_wait3A_1066] : memref<10x!tpu.dma_semaphore, #tpu.memory_space<semaphore_mem>> -> memref<1x!tpu.dma_semaphore, #tpu.memory_space<semaphore_mem>>
      %dma_wait3A_1075 = tpu.memref_squeeze %dma_wait3A_1074 : memref<1x!tpu.dma_semaphore, #tpu.memory_space<semaphore_mem>> -> memref<!tpu.dma_semaphore, #tpu.memory_space<semaphore_mem>>
      %dma_wait3A_1076 = arith.constant 0 : i32
      %dma_wait3A_1077 = tpu.memref_slice %arg4[%dma_wait3A_1065, %mul3A_2, %dma_wait3A_1076] : memref<50x4096x128xf32, #tpu.memory_space<hbm>> -> memref<1x64x128xf32, #tpu.memory_space<hbm>>
      %dma_wait3A_1078 = tpu.memref_squeeze %dma_wait3A_1077 : memref<1x64x128xf32, #tpu.memory_space<hbm>> -> memref<64x128xf32, #tpu.memory_space<hbm>>
      %dma_wait3A_1079 = arith.constant 0 : i32
      %dma_wait3A_1080 = arith.constant 0 : i32
      %dma_wait3A_1081 = tpu.memref_slice %arg6[%dma_wait3A_1064, %dma_wait3A_1079, %dma_wait3A_1080] : memref<10x64x128xf32, #tpu.memory_space<vmem>> -> memref<1x64x128xf32, #tpu.memory_space<vmem>>
      %dma_wait3A_1082 = tpu.memref_squeeze %dma_wait3A_1081 : memref<1x64x128xf32, #tpu.memory_space<vmem>> -> memref<64x128xf32, #tpu.memory_space<vmem>>
      tpu.wait_dma2 semaphore(%dma_wait3A_1075 : memref<!tpu.dma_semaphore, #tpu.memory_space<semaphore_mem>>) src(%dma_wait3A_1082 : memref<64x128xf32, #tpu.memory_space<vmem>>) dst(%dma_wait3A_1078 : memref<64x128xf32, #tpu.memory_space<hbm>>)
      %add3A_1083 = arith.constant 1 : i32
      %add3A_1084 = arith.addi %scan3A_156, %add3A_1083 : i32
      %mul3A_1085 = arith.constant 10 : i32
      %mul3A_1086 = arith.muli %add3A_1084, %mul3A_1085 : i32
      %add3A_1087 = arith.constant 4 : i32
      %add3A_1088 = arith.addi %mul3A_1086, %add3A_1087 : i32
      %lt3A_1089 = arith.constant 9 : i32
      %lt3A_1090 = arith.cmpi slt, %scan3A_156, %lt3A_1089 : i32
      %convert_element_type3A_1091 = arith.extui %lt3A_1090 : i1 to i32
      %cond3A_1092 = arith.constant 0 : i32
      %cond3A_1093 = arith.cmpi ne, %convert_element_type3A_1091, %cond3A_1092 : i32
      scf.if %cond3A_1093 {
        %jit3A_1244 = arith.constant 2 : i32
        %div3A_1245 = arith.divsi %add3A_1088, %jit3A_1244 : i32
        %sign3A_1246 = arith.constant 0 : i32
        %sign3A_1247 = arith.cmpi sgt, %add3A_1088, %sign3A_1246 : i32
        %sign3A_1248 = arith.extui %sign3A_1247 : i1 to i32
        %sign3A_1249 = arith.constant 0 : i32
        %sign3A_1250 = arith.cmpi slt, %add3A_1088, %sign3A_1249 : i32
        %sign3A_1251 = arith.extui %sign3A_1250 : i1 to i32
        %sign3A_1252 = arith.subi %sign3A_1248, %sign3A_1251 : i32
        %sign3A_1253 = arith.constant 0 : i32
        %sign3A_1254 = arith.cmpi sgt, %jit3A_1244, %sign3A_1253 : i32
        %sign3A_1255 = arith.extui %sign3A_1254 : i1 to i32
        %sign3A_1256 = arith.constant 0 : i32
        %sign3A_1257 = arith.cmpi slt, %jit3A_1244, %sign3A_1256 : i32
        %sign3A_1258 = arith.extui %sign3A_1257 : i1 to i32
        %sign3A_1259 = arith.subi %sign3A_1255, %sign3A_1258 : i32
        %ne3A_1260 = arith.cmpi ne, %sign3A_1252, %sign3A_1259 : i32
        %rem3A_1261 = arith.remsi %add3A_1088, %jit3A_1244 : i32
        %ne3A_1262 = arith.constant 0 : i32
        %ne3A_1263 = arith.cmpi ne, %rem3A_1261, %ne3A_1262 : i32
        %and3A_1264 = arith.andi %ne3A_1260, %ne3A_1263 : i1
        %sub3A_1265 = arith.constant 1 : i32
        %sub3A_1266 = arith.subi %div3A_1245, %sub3A_1265 : i32
        %select_n3A_1267 = arith.select %and3A_1264, %sub3A_1266, %div3A_1245 : i32
        %jit3A_1268 = arith.constant 2 : i32
        %eq3A_1269 = arith.constant 0 : i32
        %eq3A_1270 = arith.cmpi eq, %jit3A_1268, %eq3A_1269 : i32
        %jit3A_1271 = arith.constant 1 : i32
        %select_n3A_1272 = arith.select %eq3A_1270, %jit3A_1271, %jit3A_1268 : i32
        %rem3A_1273 = arith.remsi %add3A_1088, %select_n3A_1272 : i32
        %ne3A_1274 = arith.constant 0 : i32
        %ne3A_1275 = arith.cmpi ne, %rem3A_1273, %ne3A_1274 : i32
        %lt3A_1276 = arith.constant 0 : i32
        %lt3A_1277 = arith.cmpi slt, %rem3A_1273, %lt3A_1276 : i32
        %lt3A_1278 = arith.constant 0 : i32
        %lt3A_1279 = arith.cmpi slt, %select_n3A_1272, %lt3A_1278 : i32
        %ne3A_1280 = arith.xori %lt3A_1277, %lt3A_1279 : i1
        %and3A_1281 = arith.andi %ne3A_1280, %ne3A_1275 : i1
        %add3A_1282 = arith.addi %rem3A_1273, %select_n3A_1272 : i32
        %select_n3A_1283 = arith.select %and3A_1281, %add3A_1282, %rem3A_1273 : i32
        %mul3A_1284 = arith.constant 64 : i32
        %mul3A_1285 = arith.muli %select_n3A_1283, %mul3A_1284 : i32
        %dma_start3A_1286 = arith.constant 4 : i32
        %dma_start3A_1287 = arith.constant 4 : i32
        %dma_start3A_1288 = arith.constant 0 : i32
        %dma_start3A_1289 = arith.constant 0 : i32
        %dma_start3A_1290 = tpu.memref_slice %arg6[%dma_start3A_1286, %dma_start3A_1288, %dma_start3A_1289] : memref<10x64x128xf32, #tpu.memory_space<vmem>> -> memref<1x64x128xf32, #tpu.memory_space<vmem>>
        %dma_start3A_1291 = tpu.memref_squeeze %dma_start3A_1290 : memref<1x64x128xf32, #tpu.memory_space<vmem>> -> memref<64x128xf32, #tpu.memory_space<vmem>>
        %dma_start3A_1292 = tpu.memref_slice %arg5[%select_n3A_1267, %mul3A_1285] : memref<50x128xi32, #tpu.memory_space<vmem>> -> memref<1x64xi32, #tpu.memory_space<vmem>>
        %dma_start3A_1293 = tpu.memref_squeeze %dma_start3A_1292 : memref<1x64xi32, #tpu.memory_space<vmem>> -> memref<64xi32, #tpu.memory_space<vmem>>
        %dma_start3A_1294 = arith.constant 0 : i32
        %dma_start3A_1295 = arith.constant 0 : i32
        %dma_start3A_1296 = tpu.memref_slice %arg3[%dma_start3A_1294, %dma_start3A_1295] : memref<100000x128xf32, #tpu.memory_space<hbm>> -> memref<100000x128xf32, #tpu.memory_space<hbm>>
        %dma_start3A_1297 = tpu.memref_slice %arg7[%dma_start3A_1287] : memref<10x!tpu.dma_semaphore, #tpu.memory_space<semaphore_mem>> -> memref<1x!tpu.dma_semaphore, #tpu.memory_space<semaphore_mem>>
        %dma_start3A_1298 = tpu.memref_squeeze %dma_start3A_1297 : memref<1x!tpu.dma_semaphore, #tpu.memory_space<semaphore_mem>> -> memref<!tpu.dma_semaphore, #tpu.memory_space<semaphore_mem>>
        tpu.enqueue_indirect_dma source(%dma_start3A_1296 : memref<100000x128xf32, #tpu.memory_space<hbm>>) target(%dma_start3A_1291 : memref<64x128xf32, #tpu.memory_space<vmem>>) offsets(%dma_start3A_1293 : memref<64xi32, #tpu.memory_space<vmem>>) semaphore(%dma_start3A_1298 : memref<!tpu.dma_semaphore, #tpu.memory_space<semaphore_mem>>)
      } else {
      }
      %dma_wait3A_1094 = arith.constant 5 : i32
      %dma_wait3A_1095 = arith.constant 0 : i32
      %dma_wait3A_1096 = arith.constant 5 : i32
      %dma_wait3A_1097 = arith.constant 0 : i32
      %dma_wait3A_1098 = arith.constant 0 : i32
      %dma_wait3A_1099 = tpu.memref_slice %arg6[%dma_wait3A_1094, %dma_wait3A_1097, %dma_wait3A_1098] : memref<10x64x128xf32, #tpu.memory_space<vmem>> -> memref<1x64x128xf32, #tpu.memory_space<vmem>>
      %dma_wait3A_1100 = tpu.memref_squeeze %dma_wait3A_1099 : memref<1x64x128xf32, #tpu.memory_space<vmem>> -> memref<64x128xf32, #tpu.memory_space<vmem>>
      %dma_wait3A_1101 = arith.constant 0 : i32
      %dma_wait3A_1102 = tpu.memref_slice %arg4[%dma_wait3A_1095, %mul3A_2, %dma_wait3A_1101] : memref<50x4096x128xf32, #tpu.memory_space<hbm>> -> memref<1x64x128xf32, #tpu.memory_space<hbm>>
      %dma_wait3A_1103 = tpu.memref_squeeze %dma_wait3A_1102 : memref<1x64x128xf32, #tpu.memory_space<hbm>> -> memref<64x128xf32, #tpu.memory_space<hbm>>
      %dma_wait3A_1104 = tpu.memref_slice %arg8[%dma_wait3A_1096] : memref<10x!tpu.dma_semaphore, #tpu.memory_space<semaphore_mem>> -> memref<1x!tpu.dma_semaphore, #tpu.memory_space<semaphore_mem>>
      %dma_wait3A_1105 = tpu.memref_squeeze %dma_wait3A_1104 : memref<1x!tpu.dma_semaphore, #tpu.memory_space<semaphore_mem>> -> memref<!tpu.dma_semaphore, #tpu.memory_space<semaphore_mem>>
      %dma_wait3A_1106 = arith.constant 0 : i32
      %dma_wait3A_1107 = tpu.memref_slice %arg4[%dma_wait3A_1095, %mul3A_2, %dma_wait3A_1106] : memref<50x4096x128xf32, #tpu.memory_space<hbm>> -> memref<1x64x128xf32, #tpu.memory_space<hbm>>
      %dma_wait3A_1108 = tpu.memref_squeeze %dma_wait3A_1107 : memref<1x64x128xf32, #tpu.memory_space<hbm>> -> memref<64x128xf32, #tpu.memory_space<hbm>>
      %dma_wait3A_1109 = arith.constant 0 : i32
      %dma_wait3A_1110 = arith.constant 0 : i32
      %dma_wait3A_1111 = tpu.memref_slice %arg6[%dma_wait3A_1094, %dma_wait3A_1109, %dma_wait3A_1110] : memref<10x64x128xf32, #tpu.memory_space<vmem>> -> memref<1x64x128xf32, #tpu.memory_space<vmem>>
      %dma_wait3A_1112 = tpu.memref_squeeze %dma_wait3A_1111 : memref<1x64x128xf32, #tpu.memory_space<vmem>> -> memref<64x128xf32, #tpu.memory_space<vmem>>
      tpu.wait_dma2 semaphore(%dma_wait3A_1105 : memref<!tpu.dma_semaphore, #tpu.memory_space<semaphore_mem>>) src(%dma_wait3A_1112 : memref<64x128xf32, #tpu.memory_space<vmem>>) dst(%dma_wait3A_1108 : memref<64x128xf32, #tpu.memory_space<hbm>>)
      %add3A_1113 = arith.constant 1 : i32
      %add3A_1114 = arith.addi %scan3A_156, %add3A_1113 : i32
      %mul3A_1115 = arith.constant 10 : i32
      %mul3A_1116 = arith.muli %add3A_1114, %mul3A_1115 : i32
      %add3A_1117 = arith.constant 5 : i32
      %add3A_1118 = arith.addi %mul3A_1116, %add3A_1117 : i32
      %lt3A_1119 = arith.constant 9 : i32
      %lt3A_1120 = arith.cmpi slt, %scan3A_156, %lt3A_1119 : i32
      %convert_element_type3A_1121 = arith.extui %lt3A_1120 : i1 to i32
      %cond3A_1122 = arith.constant 0 : i32
      %cond3A_1123 = arith.cmpi ne, %convert_element_type3A_1121, %cond3A_1122 : i32
      scf.if %cond3A_1123 {
        %jit3A_1244 = arith.constant 2 : i32
        %div3A_1245 = arith.divsi %add3A_1118, %jit3A_1244 : i32
        %sign3A_1246 = arith.constant 0 : i32
        %sign3A_1247 = arith.cmpi sgt, %add3A_1118, %sign3A_1246 : i32
        %sign3A_1248 = arith.extui %sign3A_1247 : i1 to i32
        %sign3A_1249 = arith.constant 0 : i32
        %sign3A_1250 = arith.cmpi slt, %add3A_1118, %sign3A_1249 : i32
        %sign3A_1251 = arith.extui %sign3A_1250 : i1 to i32
        %sign3A_1252 = arith.subi %sign3A_1248, %sign3A_1251 : i32
        %sign3A_1253 = arith.constant 0 : i32
        %sign3A_1254 = arith.cmpi sgt, %jit3A_1244, %sign3A_1253 : i32
        %sign3A_1255 = arith.extui %sign3A_1254 : i1 to i32
        %sign3A_1256 = arith.constant 0 : i32
        %sign3A_1257 = arith.cmpi slt, %jit3A_1244, %sign3A_1256 : i32
        %sign3A_1258 = arith.extui %sign3A_1257 : i1 to i32
        %sign3A_1259 = arith.subi %sign3A_1255, %sign3A_1258 : i32
        %ne3A_1260 = arith.cmpi ne, %sign3A_1252, %sign3A_1259 : i32
        %rem3A_1261 = arith.remsi %add3A_1118, %jit3A_1244 : i32
        %ne3A_1262 = arith.constant 0 : i32
        %ne3A_1263 = arith.cmpi ne, %rem3A_1261, %ne3A_1262 : i32
        %and3A_1264 = arith.andi %ne3A_1260, %ne3A_1263 : i1
        %sub3A_1265 = arith.constant 1 : i32
        %sub3A_1266 = arith.subi %div3A_1245, %sub3A_1265 : i32
        %select_n3A_1267 = arith.select %and3A_1264, %sub3A_1266, %div3A_1245 : i32
        %jit3A_1268 = arith.constant 2 : i32
        %eq3A_1269 = arith.constant 0 : i32
        %eq3A_1270 = arith.cmpi eq, %jit3A_1268, %eq3A_1269 : i32
        %jit3A_1271 = arith.constant 1 : i32
        %select_n3A_1272 = arith.select %eq3A_1270, %jit3A_1271, %jit3A_1268 : i32
        %rem3A_1273 = arith.remsi %add3A_1118, %select_n3A_1272 : i32
        %ne3A_1274 = arith.constant 0 : i32
        %ne3A_1275 = arith.cmpi ne, %rem3A_1273, %ne3A_1274 : i32
        %lt3A_1276 = arith.constant 0 : i32
        %lt3A_1277 = arith.cmpi slt, %rem3A_1273, %lt3A_1276 : i32
        %lt3A_1278 = arith.constant 0 : i32
        %lt3A_1279 = arith.cmpi slt, %select_n3A_1272, %lt3A_1278 : i32
        %ne3A_1280 = arith.xori %lt3A_1277, %lt3A_1279 : i1
        %and3A_1281 = arith.andi %ne3A_1280, %ne3A_1275 : i1
        %add3A_1282 = arith.addi %rem3A_1273, %select_n3A_1272 : i32
        %select_n3A_1283 = arith.select %and3A_1281, %add3A_1282, %rem3A_1273 : i32
        %mul3A_1284 = arith.constant 64 : i32
        %mul3A_1285 = arith.muli %select_n3A_1283, %mul3A_1284 : i32
        %dma_start3A_1286 = arith.constant 5 : i32
        %dma_start3A_1287 = arith.constant 5 : i32
        %dma_start3A_1288 = arith.constant 0 : i32
        %dma_start3A_1289 = arith.constant 0 : i32
        %dma_start3A_1290 = tpu.memref_slice %arg6[%dma_start3A_1286, %dma_start3A_1288, %dma_start3A_1289] : memref<10x64x128xf32, #tpu.memory_space<vmem>> -> memref<1x64x128xf32, #tpu.memory_space<vmem>>
        %dma_start3A_1291 = tpu.memref_squeeze %dma_start3A_1290 : memref<1x64x128xf32, #tpu.memory_space<vmem>> -> memref<64x128xf32, #tpu.memory_space<vmem>>
        %dma_start3A_1292 = tpu.memref_slice %arg5[%select_n3A_1267, %mul3A_1285] : memref<50x128xi32, #tpu.memory_space<vmem>> -> memref<1x64xi32, #tpu.memory_space<vmem>>
        %dma_start3A_1293 = tpu.memref_squeeze %dma_start3A_1292 : memref<1x64xi32, #tpu.memory_space<vmem>> -> memref<64xi32, #tpu.memory_space<vmem>>
        %dma_start3A_1294 = arith.constant 0 : i32
        %dma_start3A_1295 = arith.constant 0 : i32
        %dma_start3A_1296 = tpu.memref_slice %arg3[%dma_start3A_1294, %dma_start3A_1295] : memref<100000x128xf32, #tpu.memory_space<hbm>> -> memref<100000x128xf32, #tpu.memory_space<hbm>>
        %dma_start3A_1297 = tpu.memref_slice %arg7[%dma_start3A_1287] : memref<10x!tpu.dma_semaphore, #tpu.memory_space<semaphore_mem>> -> memref<1x!tpu.dma_semaphore, #tpu.memory_space<semaphore_mem>>
        %dma_start3A_1298 = tpu.memref_squeeze %dma_start3A_1297 : memref<1x!tpu.dma_semaphore, #tpu.memory_space<semaphore_mem>> -> memref<!tpu.dma_semaphore, #tpu.memory_space<semaphore_mem>>
        tpu.enqueue_indirect_dma source(%dma_start3A_1296 : memref<100000x128xf32, #tpu.memory_space<hbm>>) target(%dma_start3A_1291 : memref<64x128xf32, #tpu.memory_space<vmem>>) offsets(%dma_start3A_1293 : memref<64xi32, #tpu.memory_space<vmem>>) semaphore(%dma_start3A_1298 : memref<!tpu.dma_semaphore, #tpu.memory_space<semaphore_mem>>)
      } else {
      }
      %dma_wait3A_1124 = arith.constant 6 : i32
      %dma_wait3A_1125 = arith.constant 0 : i32
      %dma_wait3A_1126 = arith.constant 6 : i32
      %dma_wait3A_1127 = arith.constant 0 : i32
      %dma_wait3A_1128 = arith.constant 0 : i32
      %dma_wait3A_1129 = tpu.memref_slice %arg6[%dma_wait3A_1124, %dma_wait3A_1127, %dma_wait3A_1128] : memref<10x64x128xf32, #tpu.memory_space<vmem>> -> memref<1x64x128xf32, #tpu.memory_space<vmem>>
      %dma_wait3A_1130 = tpu.memref_squeeze %dma_wait3A_1129 : memref<1x64x128xf32, #tpu.memory_space<vmem>> -> memref<64x128xf32, #tpu.memory_space<vmem>>
      %dma_wait3A_1131 = arith.constant 0 : i32
      %dma_wait3A_1132 = tpu.memref_slice %arg4[%dma_wait3A_1125, %mul3A_2, %dma_wait3A_1131] : memref<50x4096x128xf32, #tpu.memory_space<hbm>> -> memref<1x64x128xf32, #tpu.memory_space<hbm>>
      %dma_wait3A_1133 = tpu.memref_squeeze %dma_wait3A_1132 : memref<1x64x128xf32, #tpu.memory_space<hbm>> -> memref<64x128xf32, #tpu.memory_space<hbm>>
      %dma_wait3A_1134 = tpu.memref_slice %arg8[%dma_wait3A_1126] : memref<10x!tpu.dma_semaphore, #tpu.memory_space<semaphore_mem>> -> memref<1x!tpu.dma_semaphore, #tpu.memory_space<semaphore_mem>>
      %dma_wait3A_1135 = tpu.memref_squeeze %dma_wait3A_1134 : memref<1x!tpu.dma_semaphore, #tpu.memory_space<semaphore_mem>> -> memref<!tpu.dma_semaphore, #tpu.memory_space<semaphore_mem>>
      %dma_wait3A_1136 = arith.constant 0 : i32
      %dma_wait3A_1137 = tpu.memref_slice %arg4[%dma_wait3A_1125, %mul3A_2, %dma_wait3A_1136] : memref<50x4096x128xf32, #tpu.memory_space<hbm>> -> memref<1x64x128xf32, #tpu.memory_space<hbm>>
      %dma_wait3A_1138 = tpu.memref_squeeze %dma_wait3A_1137 : memref<1x64x128xf32, #tpu.memory_space<hbm>> -> memref<64x128xf32, #tpu.memory_space<hbm>>
      %dma_wait3A_1139 = arith.constant 0 : i32
      %dma_wait3A_1140 = arith.constant 0 : i32
      %dma_wait3A_1141 = tpu.memref_slice %arg6[%dma_wait3A_1124, %dma_wait3A_1139, %dma_wait3A_1140] : memref<10x64x128xf32, #tpu.memory_space<vmem>> -> memref<1x64x128xf32, #tpu.memory_space<vmem>>
      %dma_wait3A_1142 = tpu.memref_squeeze %dma_wait3A_1141 : memref<1x64x128xf32, #tpu.memory_space<vmem>> -> memref<64x128xf32, #tpu.memory_space<vmem>>
      tpu.wait_dma2 semaphore(%dma_wait3A_1135 : memref<!tpu.dma_semaphore, #tpu.memory_space<semaphore_mem>>) src(%dma_wait3A_1142 : memref<64x128xf32, #tpu.memory_space<vmem>>) dst(%dma_wait3A_1138 : memref<64x128xf32, #tpu.memory_space<hbm>>)
      %add3A_1143 = arith.constant 1 : i32
      %add3A_1144 = arith.addi %scan3A_156, %add3A_1143 : i32
      %mul3A_1145 = arith.constant 10 : i32
      %mul3A_1146 = arith.muli %add3A_1144, %mul3A_1145 : i32
      %add3A_1147 = arith.constant 6 : i32
      %add3A_1148 = arith.addi %mul3A_1146, %add3A_1147 : i32
      %lt3A_1149 = arith.constant 9 : i32
      %lt3A_1150 = arith.cmpi slt, %scan3A_156, %lt3A_1149 : i32
      %convert_element_type3A_1151 = arith.extui %lt3A_1150 : i1 to i32
      %cond3A_1152 = arith.constant 0 : i32
      %cond3A_1153 = arith.cmpi ne, %convert_element_type3A_1151, %cond3A_1152 : i32
      scf.if %cond3A_1153 {
        %jit3A_1244 = arith.constant 2 : i32
        %div3A_1245 = arith.divsi %add3A_1148, %jit3A_1244 : i32
        %sign3A_1246 = arith.constant 0 : i32
        %sign3A_1247 = arith.cmpi sgt, %add3A_1148, %sign3A_1246 : i32
        %sign3A_1248 = arith.extui %sign3A_1247 : i1 to i32
        %sign3A_1249 = arith.constant 0 : i32
        %sign3A_1250 = arith.cmpi slt, %add3A_1148, %sign3A_1249 : i32
        %sign3A_1251 = arith.extui %sign3A_1250 : i1 to i32
        %sign3A_1252 = arith.subi %sign3A_1248, %sign3A_1251 : i32
        %sign3A_1253 = arith.constant 0 : i32
        %sign3A_1254 = arith.cmpi sgt, %jit3A_1244, %sign3A_1253 : i32
        %sign3A_1255 = arith.extui %sign3A_1254 : i1 to i32
        %sign3A_1256 = arith.constant 0 : i32
        %sign3A_1257 = arith.cmpi slt, %jit3A_1244, %sign3A_1256 : i32
        %sign3A_1258 = arith.extui %sign3A_1257 : i1 to i32
        %sign3A_1259 = arith.subi %sign3A_1255, %sign3A_1258 : i32
        %ne3A_1260 = arith.cmpi ne, %sign3A_1252, %sign3A_1259 : i32
        %rem3A_1261 = arith.remsi %add3A_1148, %jit3A_1244 : i32
        %ne3A_1262 = arith.constant 0 : i32
        %ne3A_1263 = arith.cmpi ne, %rem3A_1261, %ne3A_1262 : i32
        %and3A_1264 = arith.andi %ne3A_1260, %ne3A_1263 : i1
        %sub3A_1265 = arith.constant 1 : i32
        %sub3A_1266 = arith.subi %div3A_1245, %sub3A_1265 : i32
        %select_n3A_1267 = arith.select %and3A_1264, %sub3A_1266, %div3A_1245 : i32
        %jit3A_1268 = arith.constant 2 : i32
        %eq3A_1269 = arith.constant 0 : i32
        %eq3A_1270 = arith.cmpi eq, %jit3A_1268, %eq3A_1269 : i32
        %jit3A_1271 = arith.constant 1 : i32
        %select_n3A_1272 = arith.select %eq3A_1270, %jit3A_1271, %jit3A_1268 : i32
        %rem3A_1273 = arith.remsi %add3A_1148, %select_n3A_1272 : i32
        %ne3A_1274 = arith.constant 0 : i32
        %ne3A_1275 = arith.cmpi ne, %rem3A_1273, %ne3A_1274 : i32
        %lt3A_1276 = arith.constant 0 : i32
        %lt3A_1277 = arith.cmpi slt, %rem3A_1273, %lt3A_1276 : i32
        %lt3A_1278 = arith.constant 0 : i32
        %lt3A_1279 = arith.cmpi slt, %select_n3A_1272, %lt3A_1278 : i32
        %ne3A_1280 = arith.xori %lt3A_1277, %lt3A_1279 : i1
        %and3A_1281 = arith.andi %ne3A_1280, %ne3A_1275 : i1
        %add3A_1282 = arith.addi %rem3A_1273, %select_n3A_1272 : i32
        %select_n3A_1283 = arith.select %and3A_1281, %add3A_1282, %rem3A_1273 : i32
        %mul3A_1284 = arith.constant 64 : i32
        %mul3A_1285 = arith.muli %select_n3A_1283, %mul3A_1284 : i32
        %dma_start3A_1286 = arith.constant 6 : i32
        %dma_start3A_1287 = arith.constant 6 : i32
        %dma_start3A_1288 = arith.constant 0 : i32
        %dma_start3A_1289 = arith.constant 0 : i32
        %dma_start3A_1290 = tpu.memref_slice %arg6[%dma_start3A_1286, %dma_start3A_1288, %dma_start3A_1289] : memref<10x64x128xf32, #tpu.memory_space<vmem>> -> memref<1x64x128xf32, #tpu.memory_space<vmem>>
        %dma_start3A_1291 = tpu.memref_squeeze %dma_start3A_1290 : memref<1x64x128xf32, #tpu.memory_space<vmem>> -> memref<64x128xf32, #tpu.memory_space<vmem>>
        %dma_start3A_1292 = tpu.memref_slice %arg5[%select_n3A_1267, %mul3A_1285] : memref<50x128xi32, #tpu.memory_space<vmem>> -> memref<1x64xi32, #tpu.memory_space<vmem>>
        %dma_start3A_1293 = tpu.memref_squeeze %dma_start3A_1292 : memref<1x64xi32, #tpu.memory_space<vmem>> -> memref<64xi32, #tpu.memory_space<vmem>>
        %dma_start3A_1294 = arith.constant 0 : i32
        %dma_start3A_1295 = arith.constant 0 : i32
        %dma_start3A_1296 = tpu.memref_slice %arg3[%dma_start3A_1294, %dma_start3A_1295] : memref<100000x128xf32, #tpu.memory_space<hbm>> -> memref<100000x128xf32, #tpu.memory_space<hbm>>
        %dma_start3A_1297 = tpu.memref_slice %arg7[%dma_start3A_1287] : memref<10x!tpu.dma_semaphore, #tpu.memory_space<semaphore_mem>> -> memref<1x!tpu.dma_semaphore, #tpu.memory_space<semaphore_mem>>
        %dma_start3A_1298 = tpu.memref_squeeze %dma_start3A_1297 : memref<1x!tpu.dma_semaphore, #tpu.memory_space<semaphore_mem>> -> memref<!tpu.dma_semaphore, #tpu.memory_space<semaphore_mem>>
        tpu.enqueue_indirect_dma source(%dma_start3A_1296 : memref<100000x128xf32, #tpu.memory_space<hbm>>) target(%dma_start3A_1291 : memref<64x128xf32, #tpu.memory_space<vmem>>) offsets(%dma_start3A_1293 : memref<64xi32, #tpu.memory_space<vmem>>) semaphore(%dma_start3A_1298 : memref<!tpu.dma_semaphore, #tpu.memory_space<semaphore_mem>>)
      } else {
      }
      %dma_wait3A_1154 = arith.constant 7 : i32
      %dma_wait3A_1155 = arith.constant 0 : i32
      %dma_wait3A_1156 = arith.constant 7 : i32
      %dma_wait3A_1157 = arith.constant 0 : i32
      %dma_wait3A_1158 = arith.constant 0 : i32
      %dma_wait3A_1159 = tpu.memref_slice %arg6[%dma_wait3A_1154, %dma_wait3A_1157, %dma_wait3A_1158] : memref<10x64x128xf32, #tpu.memory_space<vmem>> -> memref<1x64x128xf32, #tpu.memory_space<vmem>>
      %dma_wait3A_1160 = tpu.memref_squeeze %dma_wait3A_1159 : memref<1x64x128xf32, #tpu.memory_space<vmem>> -> memref<64x128xf32, #tpu.memory_space<vmem>>
      %dma_wait3A_1161 = arith.constant 0 : i32
      %dma_wait3A_1162 = tpu.memref_slice %arg4[%dma_wait3A_1155, %mul3A_2, %dma_wait3A_1161] : memref<50x4096x128xf32, #tpu.memory_space<hbm>> -> memref<1x64x128xf32, #tpu.memory_space<hbm>>
      %dma_wait3A_1163 = tpu.memref_squeeze %dma_wait3A_1162 : memref<1x64x128xf32, #tpu.memory_space<hbm>> -> memref<64x128xf32, #tpu.memory_space<hbm>>
      %dma_wait3A_1164 = tpu.memref_slice %arg8[%dma_wait3A_1156] : memref<10x!tpu.dma_semaphore, #tpu.memory_space<semaphore_mem>> -> memref<1x!tpu.dma_semaphore, #tpu.memory_space<semaphore_mem>>
      %dma_wait3A_1165 = tpu.memref_squeeze %dma_wait3A_1164 : memref<1x!tpu.dma_semaphore, #tpu.memory_space<semaphore_mem>> -> memref<!tpu.dma_semaphore, #tpu.memory_space<semaphore_mem>>
      %dma_wait3A_1166 = arith.constant 0 : i32
      %dma_wait3A_1167 = tpu.memref_slice %arg4[%dma_wait3A_1155, %mul3A_2, %dma_wait3A_1166] : memref<50x4096x128xf32, #tpu.memory_space<hbm>> -> memref<1x64x128xf32, #tpu.memory_space<hbm>>
      %dma_wait3A_1168 = tpu.memref_squeeze %dma_wait3A_1167 : memref<1x64x128xf32, #tpu.memory_space<hbm>> -> memref<64x128xf32, #tpu.memory_space<hbm>>
      %dma_wait3A_1169 = arith.constant 0 : i32
      %dma_wait3A_1170 = arith.constant 0 : i32
      %dma_wait3A_1171 = tpu.memref_slice %arg6[%dma_wait3A_1154, %dma_wait3A_1169, %dma_wait3A_1170] : memref<10x64x128xf32, #tpu.memory_space<vmem>> -> memref<1x64x128xf32, #tpu.memory_space<vmem>>
      %dma_wait3A_1172 = tpu.memref_squeeze %dma_wait3A_1171 : memref<1x64x128xf32, #tpu.memory_space<vmem>> -> memref<64x128xf32, #tpu.memory_space<vmem>>
      tpu.wait_dma2 semaphore(%dma_wait3A_1165 : memref<!tpu.dma_semaphore, #tpu.memory_space<semaphore_mem>>) src(%dma_wait3A_1172 : memref<64x128xf32, #tpu.memory_space<vmem>>) dst(%dma_wait3A_1168 : memref<64x128xf32, #tpu.memory_space<hbm>>)
      %add3A_1173 = arith.constant 1 : i32
      %add3A_1174 = arith.addi %scan3A_156, %add3A_1173 : i32
      %mul3A_1175 = arith.constant 10 : i32
      %mul3A_1176 = arith.muli %add3A_1174, %mul3A_1175 : i32
      %add3A_1177 = arith.constant 7 : i32
      %add3A_1178 = arith.addi %mul3A_1176, %add3A_1177 : i32
      %lt3A_1179 = arith.constant 9 : i32
      %lt3A_1180 = arith.cmpi slt, %scan3A_156, %lt3A_1179 : i32
      %convert_element_type3A_1181 = arith.extui %lt3A_1180 : i1 to i32
      %cond3A_1182 = arith.constant 0 : i32
      %cond3A_1183 = arith.cmpi ne, %convert_element_type3A_1181, %cond3A_1182 : i32
      scf.if %cond3A_1183 {
        %jit3A_1244 = arith.constant 2 : i32
        %div3A_1245 = arith.divsi %add3A_1178, %jit3A_1244 : i32
        %sign3A_1246 = arith.constant 0 : i32
        %sign3A_1247 = arith.cmpi sgt, %add3A_1178, %sign3A_1246 : i32
        %sign3A_1248 = arith.extui %sign3A_1247 : i1 to i32
        %sign3A_1249 = arith.constant 0 : i32
        %sign3A_1250 = arith.cmpi slt, %add3A_1178, %sign3A_1249 : i32
        %sign3A_1251 = arith.extui %sign3A_1250 : i1 to i32
        %sign3A_1252 = arith.subi %sign3A_1248, %sign3A_1251 : i32
        %sign3A_1253 = arith.constant 0 : i32
        %sign3A_1254 = arith.cmpi sgt, %jit3A_1244, %sign3A_1253 : i32
        %sign3A_1255 = arith.extui %sign3A_1254 : i1 to i32
        %sign3A_1256 = arith.constant 0 : i32
        %sign3A_1257 = arith.cmpi slt, %jit3A_1244, %sign3A_1256 : i32
        %sign3A_1258 = arith.extui %sign3A_1257 : i1 to i32
        %sign3A_1259 = arith.subi %sign3A_1255, %sign3A_1258 : i32
        %ne3A_1260 = arith.cmpi ne, %sign3A_1252, %sign3A_1259 : i32
        %rem3A_1261 = arith.remsi %add3A_1178, %jit3A_1244 : i32
        %ne3A_1262 = arith.constant 0 : i32
        %ne3A_1263 = arith.cmpi ne, %rem3A_1261, %ne3A_1262 : i32
        %and3A_1264 = arith.andi %ne3A_1260, %ne3A_1263 : i1
        %sub3A_1265 = arith.constant 1 : i32
        %sub3A_1266 = arith.subi %div3A_1245, %sub3A_1265 : i32
        %select_n3A_1267 = arith.select %and3A_1264, %sub3A_1266, %div3A_1245 : i32
        %jit3A_1268 = arith.constant 2 : i32
        %eq3A_1269 = arith.constant 0 : i32
        %eq3A_1270 = arith.cmpi eq, %jit3A_1268, %eq3A_1269 : i32
        %jit3A_1271 = arith.constant 1 : i32
        %select_n3A_1272 = arith.select %eq3A_1270, %jit3A_1271, %jit3A_1268 : i32
        %rem3A_1273 = arith.remsi %add3A_1178, %select_n3A_1272 : i32
        %ne3A_1274 = arith.constant 0 : i32
        %ne3A_1275 = arith.cmpi ne, %rem3A_1273, %ne3A_1274 : i32
        %lt3A_1276 = arith.constant 0 : i32
        %lt3A_1277 = arith.cmpi slt, %rem3A_1273, %lt3A_1276 : i32
        %lt3A_1278 = arith.constant 0 : i32
        %lt3A_1279 = arith.cmpi slt, %select_n3A_1272, %lt3A_1278 : i32
        %ne3A_1280 = arith.xori %lt3A_1277, %lt3A_1279 : i1
        %and3A_1281 = arith.andi %ne3A_1280, %ne3A_1275 : i1
        %add3A_1282 = arith.addi %rem3A_1273, %select_n3A_1272 : i32
        %select_n3A_1283 = arith.select %and3A_1281, %add3A_1282, %rem3A_1273 : i32
        %mul3A_1284 = arith.constant 64 : i32
        %mul3A_1285 = arith.muli %select_n3A_1283, %mul3A_1284 : i32
        %dma_start3A_1286 = arith.constant 7 : i32
        %dma_start3A_1287 = arith.constant 7 : i32
        %dma_start3A_1288 = arith.constant 0 : i32
        %dma_start3A_1289 = arith.constant 0 : i32
        %dma_start3A_1290 = tpu.memref_slice %arg6[%dma_start3A_1286, %dma_start3A_1288, %dma_start3A_1289] : memref<10x64x128xf32, #tpu.memory_space<vmem>> -> memref<1x64x128xf32, #tpu.memory_space<vmem>>
        %dma_start3A_1291 = tpu.memref_squeeze %dma_start3A_1290 : memref<1x64x128xf32, #tpu.memory_space<vmem>> -> memref<64x128xf32, #tpu.memory_space<vmem>>
        %dma_start3A_1292 = tpu.memref_slice %arg5[%select_n3A_1267, %mul3A_1285] : memref<50x128xi32, #tpu.memory_space<vmem>> -> memref<1x64xi32, #tpu.memory_space<vmem>>
        %dma_start3A_1293 = tpu.memref_squeeze %dma_start3A_1292 : memref<1x64xi32, #tpu.memory_space<vmem>> -> memref<64xi32, #tpu.memory_space<vmem>>
        %dma_start3A_1294 = arith.constant 0 : i32
        %dma_start3A_1295 = arith.constant 0 : i32
        %dma_start3A_1296 = tpu.memref_slice %arg3[%dma_start3A_1294, %dma_start3A_1295] : memref<100000x128xf32, #tpu.memory_space<hbm>> -> memref<100000x128xf32, #tpu.memory_space<hbm>>
        %dma_start3A_1297 = tpu.memref_slice %arg7[%dma_start3A_1287] : memref<10x!tpu.dma_semaphore, #tpu.memory_space<semaphore_mem>> -> memref<1x!tpu.dma_semaphore, #tpu.memory_space<semaphore_mem>>
        %dma_start3A_1298 = tpu.memref_squeeze %dma_start3A_1297 : memref<1x!tpu.dma_semaphore, #tpu.memory_space<semaphore_mem>> -> memref<!tpu.dma_semaphore, #tpu.memory_space<semaphore_mem>>
        tpu.enqueue_indirect_dma source(%dma_start3A_1296 : memref<100000x128xf32, #tpu.memory_space<hbm>>) target(%dma_start3A_1291 : memref<64x128xf32, #tpu.memory_space<vmem>>) offsets(%dma_start3A_1293 : memref<64xi32, #tpu.memory_space<vmem>>) semaphore(%dma_start3A_1298 : memref<!tpu.dma_semaphore, #tpu.memory_space<semaphore_mem>>)
      } else {
      }
      %dma_wait3A_1184 = arith.constant 8 : i32
      %dma_wait3A_1185 = arith.constant 0 : i32
      %dma_wait3A_1186 = arith.constant 8 : i32
      %dma_wait3A_1187 = arith.constant 0 : i32
      %dma_wait3A_1188 = arith.constant 0 : i32
      %dma_wait3A_1189 = tpu.memref_slice %arg6[%dma_wait3A_1184, %dma_wait3A_1187, %dma_wait3A_1188] : memref<10x64x128xf32, #tpu.memory_space<vmem>> -> memref<1x64x128xf32, #tpu.memory_space<vmem>>
      %dma_wait3A_1190 = tpu.memref_squeeze %dma_wait3A_1189 : memref<1x64x128xf32, #tpu.memory_space<vmem>> -> memref<64x128xf32, #tpu.memory_space<vmem>>
      %dma_wait3A_1191 = arith.constant 0 : i32
      %dma_wait3A_1192 = tpu.memref_slice %arg4[%dma_wait3A_1185, %mul3A_2, %dma_wait3A_1191] : memref<50x4096x128xf32, #tpu.memory_space<hbm>> -> memref<1x64x128xf32, #tpu.memory_space<hbm>>
      %dma_wait3A_1193 = tpu.memref_squeeze %dma_wait3A_1192 : memref<1x64x128xf32, #tpu.memory_space<hbm>> -> memref<64x128xf32, #tpu.memory_space<hbm>>
      %dma_wait3A_1194 = tpu.memref_slice %arg8[%dma_wait3A_1186] : memref<10x!tpu.dma_semaphore, #tpu.memory_space<semaphore_mem>> -> memref<1x!tpu.dma_semaphore, #tpu.memory_space<semaphore_mem>>
      %dma_wait3A_1195 = tpu.memref_squeeze %dma_wait3A_1194 : memref<1x!tpu.dma_semaphore, #tpu.memory_space<semaphore_mem>> -> memref<!tpu.dma_semaphore, #tpu.memory_space<semaphore_mem>>
      %dma_wait3A_1196 = arith.constant 0 : i32
      %dma_wait3A_1197 = tpu.memref_slice %arg4[%dma_wait3A_1185, %mul3A_2, %dma_wait3A_1196] : memref<50x4096x128xf32, #tpu.memory_space<hbm>> -> memref<1x64x128xf32, #tpu.memory_space<hbm>>
      %dma_wait3A_1198 = tpu.memref_squeeze %dma_wait3A_1197 : memref<1x64x128xf32, #tpu.memory_space<hbm>> -> memref<64x128xf32, #tpu.memory_space<hbm>>
      %dma_wait3A_1199 = arith.constant 0 : i32
      %dma_wait3A_1200 = arith.constant 0 : i32
      %dma_wait3A_1201 = tpu.memref_slice %arg6[%dma_wait3A_1184, %dma_wait3A_1199, %dma_wait3A_1200] : memref<10x64x128xf32, #tpu.memory_space<vmem>> -> memref<1x64x128xf32, #tpu.memory_space<vmem>>
      %dma_wait3A_1202 = tpu.memref_squeeze %dma_wait3A_1201 : memref<1x64x128xf32, #tpu.memory_space<vmem>> -> memref<64x128xf32, #tpu.memory_space<vmem>>
      tpu.wait_dma2 semaphore(%dma_wait3A_1195 : memref<!tpu.dma_semaphore, #tpu.memory_space<semaphore_mem>>) src(%dma_wait3A_1202 : memref<64x128xf32, #tpu.memory_space<vmem>>) dst(%dma_wait3A_1198 : memref<64x128xf32, #tpu.memory_space<hbm>>)
      %add3A_1203 = arith.constant 1 : i32
      %add3A_1204 = arith.addi %scan3A_156, %add3A_1203 : i32
      %mul3A_1205 = arith.constant 10 : i32
      %mul3A_1206 = arith.muli %add3A_1204, %mul3A_1205 : i32
      %add3A_1207 = arith.constant 8 : i32
      %add3A_1208 = arith.addi %mul3A_1206, %add3A_1207 : i32
      %lt3A_1209 = arith.constant 9 : i32
      %lt3A_1210 = arith.cmpi slt, %scan3A_156, %lt3A_1209 : i32
      %convert_element_type3A_1211 = arith.extui %lt3A_1210 : i1 to i32
      %cond3A_1212 = arith.constant 0 : i32
      %cond3A_1213 = arith.cmpi ne, %convert_element_type3A_1211, %cond3A_1212 : i32
      scf.if %cond3A_1213 {
        %jit3A_1244 = arith.constant 2 : i32
        %div3A_1245 = arith.divsi %add3A_1208, %jit3A_1244 : i32
        %sign3A_1246 = arith.constant 0 : i32
        %sign3A_1247 = arith.cmpi sgt, %add3A_1208, %sign3A_1246 : i32
        %sign3A_1248 = arith.extui %sign3A_1247 : i1 to i32
        %sign3A_1249 = arith.constant 0 : i32
        %sign3A_1250 = arith.cmpi slt, %add3A_1208, %sign3A_1249 : i32
        %sign3A_1251 = arith.extui %sign3A_1250 : i1 to i32
        %sign3A_1252 = arith.subi %sign3A_1248, %sign3A_1251 : i32
        %sign3A_1253 = arith.constant 0 : i32
        %sign3A_1254 = arith.cmpi sgt, %jit3A_1244, %sign3A_1253 : i32
        %sign3A_1255 = arith.extui %sign3A_1254 : i1 to i32
        %sign3A_1256 = arith.constant 0 : i32
        %sign3A_1257 = arith.cmpi slt, %jit3A_1244, %sign3A_1256 : i32
        %sign3A_1258 = arith.extui %sign3A_1257 : i1 to i32
        %sign3A_1259 = arith.subi %sign3A_1255, %sign3A_1258 : i32
        %ne3A_1260 = arith.cmpi ne, %sign3A_1252, %sign3A_1259 : i32
        %rem3A_1261 = arith.remsi %add3A_1208, %jit3A_1244 : i32
        %ne3A_1262 = arith.constant 0 : i32
        %ne3A_1263 = arith.cmpi ne, %rem3A_1261, %ne3A_1262 : i32
        %and3A_1264 = arith.andi %ne3A_1260, %ne3A_1263 : i1
        %sub3A_1265 = arith.constant 1 : i32
        %sub3A_1266 = arith.subi %div3A_1245, %sub3A_1265 : i32
        %select_n3A_1267 = arith.select %and3A_1264, %sub3A_1266, %div3A_1245 : i32
        %jit3A_1268 = arith.constant 2 : i32
        %eq3A_1269 = arith.constant 0 : i32
        %eq3A_1270 = arith.cmpi eq, %jit3A_1268, %eq3A_1269 : i32
        %jit3A_1271 = arith.constant 1 : i32
        %select_n3A_1272 = arith.select %eq3A_1270, %jit3A_1271, %jit3A_1268 : i32
        %rem3A_1273 = arith.remsi %add3A_1208, %select_n3A_1272 : i32
        %ne3A_1274 = arith.constant 0 : i32
        %ne3A_1275 = arith.cmpi ne, %rem3A_1273, %ne3A_1274 : i32
        %lt3A_1276 = arith.constant 0 : i32
        %lt3A_1277 = arith.cmpi slt, %rem3A_1273, %lt3A_1276 : i32
        %lt3A_1278 = arith.constant 0 : i32
        %lt3A_1279 = arith.cmpi slt, %select_n3A_1272, %lt3A_1278 : i32
        %ne3A_1280 = arith.xori %lt3A_1277, %lt3A_1279 : i1
        %and3A_1281 = arith.andi %ne3A_1280, %ne3A_1275 : i1
        %add3A_1282 = arith.addi %rem3A_1273, %select_n3A_1272 : i32
        %select_n3A_1283 = arith.select %and3A_1281, %add3A_1282, %rem3A_1273 : i32
        %mul3A_1284 = arith.constant 64 : i32
        %mul3A_1285 = arith.muli %select_n3A_1283, %mul3A_1284 : i32
        %dma_start3A_1286 = arith.constant 8 : i32
        %dma_start3A_1287 = arith.constant 8 : i32
        %dma_start3A_1288 = arith.constant 0 : i32
        %dma_start3A_1289 = arith.constant 0 : i32
        %dma_start3A_1290 = tpu.memref_slice %arg6[%dma_start3A_1286, %dma_start3A_1288, %dma_start3A_1289] : memref<10x64x128xf32, #tpu.memory_space<vmem>> -> memref<1x64x128xf32, #tpu.memory_space<vmem>>
        %dma_start3A_1291 = tpu.memref_squeeze %dma_start3A_1290 : memref<1x64x128xf32, #tpu.memory_space<vmem>> -> memref<64x128xf32, #tpu.memory_space<vmem>>
        %dma_start3A_1292 = tpu.memref_slice %arg5[%select_n3A_1267, %mul3A_1285] : memref<50x128xi32, #tpu.memory_space<vmem>> -> memref<1x64xi32, #tpu.memory_space<vmem>>
        %dma_start3A_1293 = tpu.memref_squeeze %dma_start3A_1292 : memref<1x64xi32, #tpu.memory_space<vmem>> -> memref<64xi32, #tpu.memory_space<vmem>>
        %dma_start3A_1294 = arith.constant 0 : i32
        %dma_start3A_1295 = arith.constant 0 : i32
        %dma_start3A_1296 = tpu.memref_slice %arg3[%dma_start3A_1294, %dma_start3A_1295] : memref<100000x128xf32, #tpu.memory_space<hbm>> -> memref<100000x128xf32, #tpu.memory_space<hbm>>
        %dma_start3A_1297 = tpu.memref_slice %arg7[%dma_start3A_1287] : memref<10x!tpu.dma_semaphore, #tpu.memory_space<semaphore_mem>> -> memref<1x!tpu.dma_semaphore, #tpu.memory_space<semaphore_mem>>
        %dma_start3A_1298 = tpu.memref_squeeze %dma_start3A_1297 : memref<1x!tpu.dma_semaphore, #tpu.memory_space<semaphore_mem>> -> memref<!tpu.dma_semaphore, #tpu.memory_space<semaphore_mem>>
        tpu.enqueue_indirect_dma source(%dma_start3A_1296 : memref<100000x128xf32, #tpu.memory_space<hbm>>) target(%dma_start3A_1291 : memref<64x128xf32, #tpu.memory_space<vmem>>) offsets(%dma_start3A_1293 : memref<64xi32, #tpu.memory_space<vmem>>) semaphore(%dma_start3A_1298 : memref<!tpu.dma_semaphore, #tpu.memory_space<semaphore_mem>>)
      } else {
      }
      %dma_wait3A_1214 = arith.constant 9 : i32
      %dma_wait3A_1215 = arith.constant 0 : i32
      %dma_wait3A_1216 = arith.constant 9 : i32
      %dma_wait3A_1217 = arith.constant 0 : i32
      %dma_wait3A_1218 = arith.constant 0 : i32
      %dma_wait3A_1219 = tpu.memref_slice %arg6[%dma_wait3A_1214, %dma_wait3A_1217, %dma_wait3A_1218] : memref<10x64x128xf32, #tpu.memory_space<vmem>> -> memref<1x64x128xf32, #tpu.memory_space<vmem>>
      %dma_wait3A_1220 = tpu.memref_squeeze %dma_wait3A_1219 : memref<1x64x128xf32, #tpu.memory_space<vmem>> -> memref<64x128xf32, #tpu.memory_space<vmem>>
      %dma_wait3A_1221 = arith.constant 0 : i32
      %dma_wait3A_1222 = tpu.memref_slice %arg4[%dma_wait3A_1215, %mul3A_2, %dma_wait3A_1221] : memref<50x4096x128xf32, #tpu.memory_space<hbm>> -> memref<1x64x128xf32, #tpu.memory_space<hbm>>
      %dma_wait3A_1223 = tpu.memref_squeeze %dma_wait3A_1222 : memref<1x64x128xf32, #tpu.memory_space<hbm>> -> memref<64x128xf32, #tpu.memory_space<hbm>>
      %dma_wait3A_1224 = tpu.memref_slice %arg8[%dma_wait3A_1216] : memref<10x!tpu.dma_semaphore, #tpu.memory_space<semaphore_mem>> -> memref<1x!tpu.dma_semaphore, #tpu.memory_space<semaphore_mem>>
      %dma_wait3A_1225 = tpu.memref_squeeze %dma_wait3A_1224 : memref<1x!tpu.dma_semaphore, #tpu.memory_space<semaphore_mem>> -> memref<!tpu.dma_semaphore, #tpu.memory_space<semaphore_mem>>
      %dma_wait3A_1226 = arith.constant 0 : i32
      %dma_wait3A_1227 = tpu.memref_slice %arg4[%dma_wait3A_1215, %mul3A_2, %dma_wait3A_1226] : memref<50x4096x128xf32, #tpu.memory_space<hbm>> -> memref<1x64x128xf32, #tpu.memory_space<hbm>>
      %dma_wait3A_1228 = tpu.memref_squeeze %dma_wait3A_1227 : memref<1x64x128xf32, #tpu.memory_space<hbm>> -> memref<64x128xf32, #tpu.memory_space<hbm>>
      %dma_wait3A_1229 = arith.constant 0 : i32
      %dma_wait3A_1230 = arith.constant 0 : i32
      %dma_wait3A_1231 = tpu.memref_slice %arg6[%dma_wait3A_1214, %dma_wait3A_1229, %dma_wait3A_1230] : memref<10x64x128xf32, #tpu.memory_space<vmem>> -> memref<1x64x128xf32, #tpu.memory_space<vmem>>
      %dma_wait3A_1232 = tpu.memref_squeeze %dma_wait3A_1231 : memref<1x64x128xf32, #tpu.memory_space<vmem>> -> memref<64x128xf32, #tpu.memory_space<vmem>>
      tpu.wait_dma2 semaphore(%dma_wait3A_1225 : memref<!tpu.dma_semaphore, #tpu.memory_space<semaphore_mem>>) src(%dma_wait3A_1232 : memref<64x128xf32, #tpu.memory_space<vmem>>) dst(%dma_wait3A_1228 : memref<64x128xf32, #tpu.memory_space<hbm>>)
      %add3A_1233 = arith.constant 1 : i32
      %add3A_1234 = arith.addi %scan3A_156, %add3A_1233 : i32
      %mul3A_1235 = arith.constant 10 : i32
      %mul3A_1236 = arith.muli %add3A_1234, %mul3A_1235 : i32
      %add3A_1237 = arith.constant 9 : i32
      %add3A_1238 = arith.addi %mul3A_1236, %add3A_1237 : i32
      %lt3A_1239 = arith.constant 9 : i32
      %lt3A_1240 = arith.cmpi slt, %scan3A_156, %lt3A_1239 : i32
      %convert_element_type3A_1241 = arith.extui %lt3A_1240 : i1 to i32
      %cond3A_1242 = arith.constant 0 : i32
      %cond3A_1243 = arith.cmpi ne, %convert_element_type3A_1241, %cond3A_1242 : i32
      scf.if %cond3A_1243 {
        %jit3A_1244 = arith.constant 2 : i32
        %div3A_1245 = arith.divsi %add3A_1238, %jit3A_1244 : i32
        %sign3A_1246 = arith.constant 0 : i32
        %sign3A_1247 = arith.cmpi sgt, %add3A_1238, %sign3A_1246 : i32
        %sign3A_1248 = arith.extui %sign3A_1247 : i1 to i32
        %sign3A_1249 = arith.constant 0 : i32
        %sign3A_1250 = arith.cmpi slt, %add3A_1238, %sign3A_1249 : i32
        %sign3A_1251 = arith.extui %sign3A_1250 : i1 to i32
        %sign3A_1252 = arith.subi %sign3A_1248, %sign3A_1251 : i32
        %sign3A_1253 = arith.constant 0 : i32
        %sign3A_1254 = arith.cmpi sgt, %jit3A_1244, %sign3A_1253 : i32
        %sign3A_1255 = arith.extui %sign3A_1254 : i1 to i32
        %sign3A_1256 = arith.constant 0 : i32
        %sign3A_1257 = arith.cmpi slt, %jit3A_1244, %sign3A_1256 : i32
        %sign3A_1258 = arith.extui %sign3A_1257 : i1 to i32
        %sign3A_1259 = arith.subi %sign3A_1255, %sign3A_1258 : i32
        %ne3A_1260 = arith.cmpi ne, %sign3A_1252, %sign3A_1259 : i32
        %rem3A_1261 = arith.remsi %add3A_1238, %jit3A_1244 : i32
        %ne3A_1262 = arith.constant 0 : i32
        %ne3A_1263 = arith.cmpi ne, %rem3A_1261, %ne3A_1262 : i32
        %and3A_1264 = arith.andi %ne3A_1260, %ne3A_1263 : i1
        %sub3A_1265 = arith.constant 1 : i32
        %sub3A_1266 = arith.subi %div3A_1245, %sub3A_1265 : i32
        %select_n3A_1267 = arith.select %and3A_1264, %sub3A_1266, %div3A_1245 : i32
        %jit3A_1268 = arith.constant 2 : i32
        %eq3A_1269 = arith.constant 0 : i32
        %eq3A_1270 = arith.cmpi eq, %jit3A_1268, %eq3A_1269 : i32
        %jit3A_1271 = arith.constant 1 : i32
        %select_n3A_1272 = arith.select %eq3A_1270, %jit3A_1271, %jit3A_1268 : i32
        %rem3A_1273 = arith.remsi %add3A_1238, %select_n3A_1272 : i32
        %ne3A_1274 = arith.constant 0 : i32
        %ne3A_1275 = arith.cmpi ne, %rem3A_1273, %ne3A_1274 : i32
        %lt3A_1276 = arith.constant 0 : i32
        %lt3A_1277 = arith.cmpi slt, %rem3A_1273, %lt3A_1276 : i32
        %lt3A_1278 = arith.constant 0 : i32
        %lt3A_1279 = arith.cmpi slt, %select_n3A_1272, %lt3A_1278 : i32
        %ne3A_1280 = arith.xori %lt3A_1277, %lt3A_1279 : i1
        %and3A_1281 = arith.andi %ne3A_1280, %ne3A_1275 : i1
        %add3A_1282 = arith.addi %rem3A_1273, %select_n3A_1272 : i32
        %select_n3A_1283 = arith.select %and3A_1281, %add3A_1282, %rem3A_1273 : i32
        %mul3A_1284 = arith.constant 64 : i32
        %mul3A_1285 = arith.muli %select_n3A_1283, %mul3A_1284 : i32
        %dma_start3A_1286 = arith.constant 9 : i32
        %dma_start3A_1287 = arith.constant 9 : i32
        %dma_start3A_1288 = arith.constant 0 : i32
        %dma_start3A_1289 = arith.constant 0 : i32
        %dma_start3A_1290 = tpu.memref_slice %arg6[%dma_start3A_1286, %dma_start3A_1288, %dma_start3A_1289] : memref<10x64x128xf32, #tpu.memory_space<vmem>> -> memref<1x64x128xf32, #tpu.memory_space<vmem>>
        %dma_start3A_1291 = tpu.memref_squeeze %dma_start3A_1290 : memref<1x64x128xf32, #tpu.memory_space<vmem>> -> memref<64x128xf32, #tpu.memory_space<vmem>>
        %dma_start3A_1292 = tpu.memref_slice %arg5[%select_n3A_1267, %mul3A_1285] : memref<50x128xi32, #tpu.memory_space<vmem>> -> memref<1x64xi32, #tpu.memory_space<vmem>>
        %dma_start3A_1293 = tpu.memref_squeeze %dma_start3A_1292 : memref<1x64xi32, #tpu.memory_space<vmem>> -> memref<64xi32, #tpu.memory_space<vmem>>
        %dma_start3A_1294 = arith.constant 0 : i32
        %dma_start3A_1295 = arith.constant 0 : i32
        %dma_start3A_1296 = tpu.memref_slice %arg3[%dma_start3A_1294, %dma_start3A_1295] : memref<100000x128xf32, #tpu.memory_space<hbm>> -> memref<100000x128xf32, #tpu.memory_space<hbm>>
        %dma_start3A_1297 = tpu.memref_slice %arg7[%dma_start3A_1287] : memref<10x!tpu.dma_semaphore, #tpu.memory_space<semaphore_mem>> -> memref<1x!tpu.dma_semaphore, #tpu.memory_space<semaphore_mem>>
        %dma_start3A_1298 = tpu.memref_squeeze %dma_start3A_1297 : memref<1x!tpu.dma_semaphore, #tpu.memory_space<semaphore_mem>> -> memref<!tpu.dma_semaphore, #tpu.memory_space<semaphore_mem>>
        tpu.enqueue_indirect_dma source(%dma_start3A_1296 : memref<100000x128xf32, #tpu.memory_space<hbm>>) target(%dma_start3A_1291 : memref<64x128xf32, #tpu.memory_space<vmem>>) offsets(%dma_start3A_1293 : memref<64xi32, #tpu.memory_space<vmem>>) semaphore(%dma_start3A_1298 : memref<!tpu.dma_semaphore, #tpu.memory_space<semaphore_mem>>)
      } else {
      }
    }
    %scan3A_155 = arith.constant 10 : i32
    return
  }
}

</mosaic_0001>

<sc_bundles>
// kernel: _emb.3.cloned.1.call-start
scs
__scs_entry_jumppad:
0x0: {  	(pc) =	sbr.rel $0x88, $3  }
0x1: {  	(tag) =	ssettag $0x0;
	lr =	simm.s32 $0x1  }
0x2: {  	[smem:$0x3F9F] =	sst lr;
	_ =	strace $0xD0000000  }
0x3: {  	_ = 	snop  }
0x4: {  	_ = 	snop  }
0x5: {  	_ = 	snop  }
0x6: {  	_ = 	snop  }
0x7: {  	_ = 	snop  }
__scs_overlays_trampoline_lowered:
0x8: {  	[smem:$0x3FAE] =	sst s0  }
0x9: {  	[smem:$0x3FAF] =	sst s1  }
0xa: {  	[smem:$0x3FB0] =	sst s2  }
0xb: {  	[smem:$0x3FB1] =	sst s3  }
0xc: {  	[smem:$0x3FB2] =	sst s4  }
0xd: {  	[smem:$0x3FB3] =	sst s5  }
0xe: {  	[smem:$0x3FB4] =	sst s6  }
0xf: {  	[smem:$0x3FB5] =	sst s7  }
0x10: {  	[smem:$0x3FB6] =	sst s8  }
0x11: {  	[smem:$0x3FB7] =	sst s9;
	s0 =	simm.s32 @!p0 $0x0  }
0x12: {  	s1 =	sld [smem:$0x3F9D];
	s0 =	simm.s32 @p0 $0x1  }
0x13: {  	[smem:$0x3FB8] =	sst s0;
	s0 =	simm.s32 @!p1 $0x0  }
0x14: {  	s2 =	sld [smem:$0x3F9C];
	s0 =	simm.s32 @p1 $0x1  }
0x15: {  	[smem:$0x3FB9] =	sst s0;
	s0 =	simm.s32 @!p2 $0x0  }
0x16: {  	s3 =	sld [smem:$0x3FDB];
	s0 =	simm.s32 @p2 $0x1  }
0x17: {  	s4 =	simm.s32 $0x1BF5;
	[smem:$0x3FBB] =	sst s0  }
0x18: {  	s0 =	sld [smem:$0x3F9E];
	_ =	swait.ge [sflag:s4], $0x0  }
0x19: {  	s7 =	sld [smem:$0x3F9F]  }
0x1a: {  	s8 =	sadd.s32 $0xFFFFE003, lr  }
0x1b: {  	s9 =	sadd.s32 $0xFFFFFEF7, lr;
	s5 =	simm.s32 $0xFFFFFFFF;
	p2 =	slt.u32 s8, $0xFFFFF086  }
0x1c: {  	p1 =	slt.u32 s9, $0xF7A;
	s5 =	simm.s32 @!p2 $0x0  }
0x1d: {  	s5 =	simm.s32 @p1 $0x1;
	p0 =	seq.s32 s7, s2  }
0x1e: {  	s7 =	smul.u32 @!p0 $0xF7A, s2;
	p2 =	seq.s32 @!p0 s5, $0x0  }
0x1f: {  	s9 =	smul.u32 $0xF7A, s1;
	s8 =	simm.s32 @!p0 $0x1BF5;
	p2 =	por !p2, p0  }
0x20: {  	[sflag:s8] =	ssyncset.s32 @!p0 $0xFFFFF086;
	s6 =	sadd.s32 @!p0 s3, s7;
	s7 =	simm.s32 @!p0 $0x108  }
0x21: {  	s3 =	sadd.s32 s3, s9;
	s6 =	sadd.s32 @!p0 $0x88, s6;
	s7 =	simm.s32 @p2 $0x1082  }
0x22: {  	[simem:s7], [sflag:s8] =	dma.local @!p0 [hbm:s6], $0xF7A  }
0x23: {  	s9 =	sor.u32 $0xD0000000, s2;
	s6 =	simm.s32 $0x108;
	_ =	swait.ge @!p0 [sflag:s8], $0x0  }
0x24: {  	s3 =	sadd.s32 $0x88, s3;
	s6 =	simm.s32 @!p1 $0x1082;
	[sflag:s4] =	ssyncset.s32 $0xFFFFF086  }
0x25: {  	[simem:s6], [sflag:s4] =	dma.local [hbm:s3], $0xF7A  }
0x26: {  	[smem:$0x3F9F] =	sst s1;
	(tag) =	ssettag s2;
	_ =	strace s9  }
0x27: {  	s1 =	sld [smem:$0x3FAF]  }
0x28: {  	s2 =	sld [smem:$0x3FB0]  }
0x29: {  	s4 =	sld [smem:$0x3FB2]  }
0x2a: {  	p0 =	seq.s32 s5, $0x0;
	s5 =	sld [smem:$0x3FB3]  }
0x2b: {  	s6 =	sld [smem:$0x3FB4]  }
0x2c: {  	s7 =	sld [smem:$0x3FB5]  }
0x2d: {  	s3 =	simm.s32 $0x108;
	s8 =	sld [smem:$0x3FB6]  }
0x2e: {  	s3 =	simm.s32 @!p0 $0x1082;
	s9 =	sld [smem:$0x3FB7]  }
0x2f: {  	lr =	sadd.s32 s0, s3;
	s0 =	sld [smem:$0x3FAE]  }
0x30: {  	s3 =	sld [smem:$0x3FB1]  }
0x31: {  	[smem:$0x3FBA] =	sst s10  }
0x32: {  	s10 =	sld [smem:$0x3FB8];
	_ =	sdelay $0x3  }
0x33: {  	p0 =	seq.s32 s10, $0x1;
	s10 =	sld [smem:$0x3FBA];
	_ =	sdelay $0x3  }
0x34: {  	[smem:$0x3FBA] =	sst s10  }
0x35: {  	s10 =	sld [smem:$0x3FB9];
	_ =	sdelay $0x3  }
0x36: {  	p1 =	seq.s32 s10, $0x1;
	s10 =	sld [smem:$0x3FBA];
	_ =	sdelay $0x3  }
0x37: {  	[smem:$0x3FBA] =	sst s10  }
0x38: {  	s10 =	sld [smem:$0x3FBB]  }
0x39: {  	_ = 	snop;
	(pc) =	sbr.ind lr, $3  }
0x3a: {  	_ = 	snop  }
0x3b: {  	_ = 	snop  }
0x3c: {  	p2 =	seq.s32 s10, $0x1;
	s10 =	sld [smem:$0x3FBA]  }
0x3d: {  	_ =	shalt  }
0x3e: {  	_ =	shalt  }
0x3f: {  	_ =	shalt  }
0x40: {  	_ =	shalt  }
0x41: {  	_ =	shalt  }
0x42: {  	_ =	shalt  }
0x43: {  	_ =	shalt  }
0x44: {  	_ =	shalt  }
0x45: {  	_ =	shalt  }
0x46: {  	_ =	shalt  }
0x47: {  	_ =	shalt  }
0x48: {  	_ =	shalt  }
0x49: {  	_ =	shalt  }
0x4a: {  	_ =	shalt  }
0x4b: {  	_ =	shalt  }
0x4c: {  	_ =	shalt  }
0x4d: {  	_ =	shalt  }
0x4e: {  	_ =	shalt  }
0x4f: {  	_ =	shalt  }
0x50: {  	_ =	shalt  }
0x51: {  	_ =	shalt  }
0x52: {  	_ =	shalt  }
0x53: {  	_ =	shalt  }
0x54: {  	_ =	shalt  }
0x55: {  	_ =	shalt  }
0x56: {  	_ =	shalt  }
0x57: {  	_ =	shalt  }
0x58: {  	_ =	shalt  }
0x59: {  	_ =	shalt  }
0x5a: {  	_ =	shalt  }
0x5b: {  	_ =	shalt  }
0x5c: {  	_ =	shalt  }
0x5d: {  	_ =	shalt  }
0x5e: {  	_ =	shalt  }
0x5f: {  	_ =	shalt  }
0x60: {  	_ =	shalt  }
0x61: {  	_ =	shalt  }
0x62: {  	_ =	shalt  }
0x63: {  	_ =	shalt  }
0x64: {  	_ =	shalt  }
0x65: {  	_ =	shalt  }
0x66: {  	_ =	shalt  }
0x67: {  	_ =	shalt  }
0x68: {  	_ =	shalt  }
0x69: {  	_ =	shalt  }
0x6a: {  	_ =	shalt  }
0x6b: {  	_ =	shalt  }
0x6c: {  	_ =	shalt  }
0x6d: {  	_ =	shalt  }
0x6e: {  	_ =	shalt  }
0x6f: {  	_ =	shalt  }
0x70: {  	_ =	shalt  }
0x71: {  	_ =	shalt  }
0x72: {  	_ =	shalt  }
0x73: {  	_ =	shalt  }
0x74: {  	_ =	shalt  }
0x75: {  	_ =	shalt  }
0x76: {  	_ =	shalt  }
0x77: {  	_ =	shalt  }
0x78: {  	_ =	shalt  }
0x79: {  	_ =	shalt  }
0x7a: {  	_ =	shalt  }
0x7b: {  	_ =	shalt  }
0x7c: {  	_ =	shalt  }
0x7d: {  	_ =	shalt  }
0x7e: {  	_ =	shalt  }
0x7f: {  	_ =	shalt  }
0x80: {  	_ =	shalt  }
0x81: {  	_ =	shalt  }
0x82: {  	_ =	shalt  }
0x83: {  	_ =	shalt  }
0x84: {  	_ =	shalt  }
0x85: {  	_ =	shalt  }
0x86: {  	_ =	shalt  }
0x87: {  	_ =	shalt  }
.Lfunc_end0:
.L_simem_size_0:
called_computation_lowered:
.L_overlay_start_0:
0x88: {  	s2 =	sld [smem:$0x3FD9]  }
0x89: {  	s3 =	sld [smem:$0x3FFE];
	_ =	sdelay $0x1  }
0x8a: {  	s1 =	srdreg.scid  }
0x8b: {  	s0 =	sand.u32 $0x1, s1  }
0x8c: {  	s17 =	sshll.u32 s0, $0xA;
	s2 =	sadd.s32 s3, s2  }
0x8d: {  	s2 =	sadd.s32 s2, s17  }
0x8e: {  	[smem:$0x3FC6] =	sst s2  }
0x8f: {  	_ = 	snop  }
0x90: {  	s2 =	sld [smem:$0x3FC8]  }
0x91: {  	s18 =	sld [smem:$0x3FD0];
	(tm) =	ssettm $0x1  }
0x92: {  	s4 =	sld [smem:$0x3FFB];
	_ =	sdelay $0x3  }
0x93: {  	_ =	strace s4  }
0x94: {  	s4 =	sld [smem:$0x3FFC];
	_ =	sdelay $0x3  }
0x95: {  	_ =	strace s4  }
0x96: {  	s4 =	sld [smem:$0x3FFD];
	_ =	sdelay $0x3  }
0x97: {  	_ =	strace s4  }
0x98: {  	_ =	strace $0x8FFFFFFF  }
0x99: {  	s19 =	sld [smem:$0x3FDB];
	_ =	sdelay $0x1  }
0x9a: {  	s5 =	simm.s32 $_scs_section_size  }
0x9b: {  	s6 =	simm.s32 $_size__tile_overlayer_lowered;
	s7 =	simm.s32 $_tile_overlayer_lowered  }
0x9c: {  	s22 =	simm.s32 $0x1BFF;
	s21 =	sshll.u32 s7, $0x1;
	s4 =	sadd.s32 s5, s19  }
0x9d: {  	s8 =	simm.s32 $0x0;
	s20 =	sshll.u32 s6, $0x1;
	s6 =	sadd.s32 s21, s4  }
0x9e: {  	[timem:s8], [sflag:s22] =	dma.local [hbm:s6], s20  }
0x9f: {  	_ =	swait.ge [sflag:s22], s20  }
0xa0: {  	s5 =	ssub.s32 $0x0, s20;
	[sflag:s22] =	ssyncset.done $0x0  }
0xa1: {  	[sflag:s22] =	ssyncadd.s32 s5;
	_ =	sdelay $0x1  }
0xa2: {  	s23 =	simm.s32 $0x1B8B  }
0xa3: {  	_ =	swait.ge [sflag:s23], $0x1  }
0xa4: {  	[sflag:s23] =	ssyncset.done $0x0  }
0xa5: {  	s25 =	simm.s32 $0x1B8E;
	s24 =	sld [smem:$0x3FFE];
	[sflag:s23] =	ssyncadd.s32 $0xFFFFFFFF  }
0xa6: {  	s26 =	simm.s32 $execute0_lowered;
	[smem:$0x3FD2] =	sst s25  }
0xa7: {  	s6 =	sshll.u32 s26, $0x1;
	_ =	strace $0x80000046;
	[dreg:$0x1] =	wrdreg $0xFFFFFFFF  }
0xa8: {  	s28 =	simm.s32 $_size_execute0_lowered;
	s4 =	sadd.s32 s4, s6;
	[dreg:$0x0] =	wrdreg $0x0  }
0xa9: {  	s6 =	sshll.u32 s28, $0x1;
	[dreg:$0x2] =	wrdreg s4  }
0xaa: {  	[dreg:$0x3] =	wrdreg s6  }
0xab: {  	[dreg:$0x4] =	wrdreg $0xC0  }
0xac: {  	_ =	task [dreg:s8], $0x5FFFF  }
0xad: {  	[dreg:$0x1] =	wrdreg $0xFFFFFFFF  }
0xae: {  	[dreg:$0x0] =	wrdreg $0x60  }
0xaf: {  	[dreg:$0x2] =	wrdreg s24  }
0xb0: {  	[dreg:$0x3] =	wrdreg s2  }
0xb1: {  	[dreg:$0x4] =	wrdreg s18  }
0xb2: {  	[dreg:$0x5] =	wrdreg $0x9  }
0xb3: {  	_ =	task.clear_ibuf [dreg:s8], $0x6FFFF;
	_ =	strace $0x90000046  }
0xb4: {  	s29 =	simm.s32 $0x9;
	_ =	strace $0x80000048  }
0xb5: {  	_ =	swait.ge [sflag:s29], $0x1  }
0xb6: {  	[sflag:s29] =	ssyncadd.s32 $0xFFFFFFFF  }
0xb7: {  	_ =	strace $0x90000048  }
0xb8: {  	_ =	sfence  }
0xb9: {  	s30 =	sld [smem:$0x0];
	_ =	sdelay $0x2  }
0xba: {  	s31 =	sshll.u32 s1, $0xD;
	s1 =	sshrl.u32 s1, $0x2  }
0xbb: {  	s3 =	sand.u32 $0x4000, s31;
	s1 =	sadd.s32 s1, s30  }
0xbc: {  	s0 =	sor.u32 s3, s0;
	s1 =	sshll.u32 s1, $0x11  }
0xbd: {  	s0 =	sor.u32 s1, s0  }
0xbe: {  	s0 =	sadd.s32 $0x8F2B, s0  }
0xbf: {  	[sflag:s0] =	ssyncadd.remote.s32 $0x1  }
0xc0: {  	_ =	sfence.sel $0xFFFF  }
0xc1: {  	[dreg:$0x0] =	wrdreg $0xFFFFFFFF;
	(pc) =	sbr.abs _section_cstart, $3  }
0xc2: {  	[dreg:$0x1] =	wrdreg $0xFFFFFFFF  }
0xc3: {  	_ =	task.clear_ibuf [dreg:s8], $0x2FFFF;
	_ =	strace $0x9FFFFFFF  }
0xc4: {  	(tm) =	ssettm $0x7FFFFFFF  }
0xc5: {  	_ =	shalt  }
tec
execute0_lowered:
.L_overlay_start_1:
0x0: {  	(tag) =	ssettag $0x1  }
0x1: {  	s0 =	rddreg [dreg:$0x0];
	s1 =	srdreg.scid  }
0x2: {  	s6 =	stileid.u32;
	s2 =	rddreg [dreg:$0x1];
	s4 =	simm.s32 $0x0  }
0x3: {  	s29 =	simm.s32 $0x1C00;
	s31 =	simm.s32 $0x3C00;
	s7 =	simm.s32 $0x9  }
0x4: {  	s8 =	simm.s32 $0xA;
	s9 =	simm.s32 $0xB;
	s28 =	simm.s32 $0x0  }
0x5: {  	s30 =	simm.s32 $0xDC00;
	s1 =	sand.u32 $0x1, s1;
	s3 =	sshll.u32 s6, $0x1  }
0x6: {  	[smem:$0x7FF] =	sst s4;
	s11 =	sshll.u32 s6, $0xF;
	s6 =	simm.s32 $0x7  }
0x7: {  	s3 =	sor.u32 s1, s3;
	s5 =	ssub.s32 $0x2, s1;
	s1 =	sshll.u32 s1, $0xE  }
0x8: {  	_ =	strace $0x80000047;
	s3 =	smul.u32 $0x380, s3;
	s13 =	sor.u32 s1, s11  }
0x9: {  	s10 =	sshrl.u32 s5, $0x1;
	s11 =	simm.s32 $0xD;
	s1 =	sor.u32 $0x202000, s13  }
0xa: {  	s14 =	sor.u32 $0x200000, s13;
	s17 =	sor.u32 $0x180000, s13;
	s18 =	sor.u32 $0x102000, s13  }
0xb: {  	s19 =	sor.u32 $0x100000, s13;
	s22 =	sor.u32 $0x82000, s13;
	s23 =	sor.u32 $0x80000, s13  }
0xc: {  	s24 =	sor.u32 $0x2000, s13;
	s0 =	sadd.s32 s3, s0;
	s3 =	ssub.s32 s5, s10  }
0xd: {  	s5 =	sor.u32 $0x182000, s13;
	s1 =	sshrl.u32 s1, $0x3;
	s15 =	sshrl.u32 s14, $0x3  }
0xe: {  	s20 =	sshrl.u32 s18, $0x3;
	s21 =	sshrl.u32 s19, $0x3;
	s25 =	sshrl.u32 s23, $0x3  }
0xf: {  	s26 =	sshrl.u32 s24, $0x3;
	s18 =	simm.s32 $0x40;
	[dreg:$0x6] =	wrdreg s1  }
0x10: {  	s24 =	simm.s32 $0x9C00;
	s23 =	simm.s32 $0x13C00;
	[dreg:$0x7] =	wrdreg s15  }
0x11: {  	s10 =	simm.s32 $0xC;
	s14 =	simm.s32 $0x10;
	[dreg:$0xa] =	wrdreg s20  }
0x12: {  	s19 =	simm.s32 $0x13;
	s0 =	sadd.s32 $0x400, s0;
	[dreg:$0xb] =	wrdreg s21  }
0x13: {  	s12 =	smax.u32 s3, $0x1;
	s16 =	sshrl.u32 s5, $0x3;
	[dreg:$0xd] =	wrdreg s25  }
0x14: {  	s1 =	sshrl.u32 s17, $0x3;
	[dreg:$0xe] =	wrdreg s26;
	s21 =	simm.s32 $0x7C00  }
0x15: {  	s25 =	simm.s32 $0xBC00;
	s26 =	simm.s32 $0xDC00;
	[dreg:$0x4] =	wrdreg s0  }
0x16: {  	s3 =	simm.s32 $0x11C00;
	s5 =	simm.s32 $0x6;
	[dreg:$0x5] =	wrdreg s12  }
.Ltmp0:
0x17: {  	s17 =	simm.s32 $0x8;
	[dreg:$0x8] =	wrdreg s16;
	(pc) =	sbr.rel .LBB2_1-.Ltmp0, $4  }
0x18: {  	s15 =	simm.s32 $0x11;
	s20 =	simm.s32 $0x14;
	[dreg:$0x9] =	wrdreg s1  }
0x19: {  	s1 =	sshrl.u32 s22, $0x3;
	s0 =	sshrl.u32 s13, $0x3;
	s12 =	simm.s32 $0xE  }
0x1a: {  	s13 =	simm.s32 $0xF;
	s16 =	simm.s32 $0x12;
	[dreg:$0xc] =	wrdreg s1  }
0x1b: {  	[dreg:$0xf] =	wrdreg s0;
	s0 =	simm.s32 $0x5C00;
	s1 =	simm.s32 $0xFC00  }
.LBB2_3:
0x1c: {  	_ =	swait.ge [sflag:s10], $0x2000  }
0x1d: {  	[sflag:s10] =	ssyncset.done $0x0  }
0x1e: {  	[sflag:s10] =	ssyncadd.s32 $0xFFFFE000  }
0x1f: {  	_ =	swait.ge [sflag:s11], $0x2000  }
0x20: {  	[sflag:s11] =	ssyncset.done $0x0  }
0x21: {  	[sflag:s11] =	ssyncadd.s32 $0xFFFFE000  }
0x22: {  	_ =	swait.ge [sflag:s12], $0x2000  }
0x23: {  	[sflag:s12] =	ssyncset.done $0x0  }
0x24: {  	[sflag:s12] =	ssyncadd.s32 $0xFFFFE000  }
0x25: {  	_ =	swait.ge [sflag:s13], $0x2000  }
0x26: {  	[sflag:s13] =	ssyncset.done $0x0  }
0x27: {  	[sflag:s13] =	ssyncadd.s32 $0xFFFFE000  }
0x28: {  	_ =	swait.ge [sflag:s14], $0x2000  }
0x29: {  	[sflag:s14] =	ssyncset.done $0x0  }
0x2a: {  	[sflag:s14] =	ssyncadd.s32 $0xFFFFE000  }
0x2b: {  	_ =	swait.ge [sflag:s15], $0x2000  }
0x2c: {  	[sflag:s15] =	ssyncset.done $0x0  }
0x2d: {  	[sflag:s15] =	ssyncadd.s32 $0xFFFFE000  }
0x2e: {  	_ =	swait.ge [sflag:s16], $0x2000  }
0x2f: {  	[sflag:s16] =	ssyncset.done $0x0  }
0x30: {  	[sflag:s16] =	ssyncadd.s32 $0xFFFFE000  }
0x31: {  	_ =	swait.ge [sflag:s19], $0x2000  }
0x32: {  	[sflag:s19] =	ssyncset.done $0x0  }
0x33: {  	[sflag:s19] =	ssyncadd.s32 $0xFFFFE000  }
0x34: {  	_ =	swait.ge [sflag:s20], $0x2000  }
0x35: {  	[sflag:s20] =	ssyncset.done $0x0  }
0x36: {  	[sflag:s20] =	ssyncadd.s32 $0xFFFFE000  }
.LBB2_5:
0x37: {  	s28 =	rddreg [dreg:$0x10]  }
0x38: {  	s22 =	rddreg [dreg:$0x5];
	s28 =	sadd.s32 $0x1, s28  }
0x39: {  	p0 =	sne.s32 s28, s22  }
.Ltmp1:
0x3a: {  	_ = 	snop;
	(pc) =	sbr.rel @!p0 .LBB2_6-.Ltmp1, $4  }
0x3b: {  	_ = 	snop  }
0x3c: {  	s0 =	simm.s32 $0x5C00;
	s21 =	simm.s32 $0x7C00  }
0x3d: {  	s24 =	simm.s32 $0x9C00;
	s25 =	simm.s32 $0xBC00;
	s26 =	simm.s32 $0xDC00  }
0x3e: {  	s1 =	simm.s32 $0xFC00;
	s3 =	simm.s32 $0x11C00;
	s23 =	simm.s32 $0x13C00  }
.LBB2_1:
0x3f: {  	s22 =	rddreg [dreg:$0x4]  }
0x40: {  	[tilespmem:s4], [sflag:$0x15] =	stream.linear.gather [hbm4b:s22+s4], $0x1900, $0x38;
	[tilespmem:$0x15C00] =	vst v63  }
0x41: {  	[dreg:$0x10] =	wrdreg s28;
	s22 =	simm.s32 $0x15  }
0x42: {  	_ =	swait.ge [sflag:s22], $0x1900  }
0x43: {  	[sflag:s22] =	ssyncset.done $0x0  }
0x44: {  	[sflag:s22] =	ssyncadd.s32 $0xFFFFE700  }
0x45: {  	[tilespmem:s29], [sflag:$0x1] =	stream.indirect.gather [hbm4b:s2+s18], $0x80, s4, s18, $0xb8;
	[tilespmem:$0x15C00] =	vst v63  }
0x46: {  	_ = 	snop  }
0x47: {  	[tilespmem:s31], [sflag:$0x2] =	stream.indirect.gather [hbm4b:s2+s18], $0x80, s18, s18, $0xb8;
	[tilespmem:$0x15C00] =	vst v63  }
0x48: {  	s22 =	simm.s32 $0x80  }
0x49: {  	[tilespmem:s0], [sflag:$0x3] =	stream.indirect.gather [hbm4b:s2+s18], $0x80, s22, s18, $0xb8;
	[tilespmem:$0x15C00] =	vst v63  }
0x4a: {  	s22 =	simm.s32 $0xC0  }
0x4b: {  	[tilespmem:s21], [sflag:$0x4] =	stream.indirect.gather [hbm4b:s2+s18], $0x80, s22, s18, $0xb8;
	[tilespmem:$0x15C00] =	vst v63  }
0x4c: {  	s22 =	simm.s32 $0x100  }
0x4d: {  	[tilespmem:s24], [sflag:$0x5] =	stream.indirect.gather [hbm4b:s2+s18], $0x80, s22, s18, $0xb8;
	[tilespmem:$0x15C00] =	vst v63  }
0x4e: {  	s21 =	simm.s32 $0x140  }
0x4f: {  	[tilespmem:s25], [sflag:$0x6] =	stream.indirect.gather [hbm4b:s2+s18], $0x80, s21, s18, $0xb8;
	[tilespmem:$0x15C00] =	vst v63  }
0x50: {  	s22 =	simm.s32 $0x180  }
0x51: {  	[tilespmem:s26], [sflag:$0x7] =	stream.indirect.gather [hbm4b:s2+s18], $0x80, s22, s18, $0xb8;
	[tilespmem:$0x15C00] =	vst v63  }
0x52: {  	s28 =	simm.s32 $0xBC00;
	s0 =	simm.s32 $0x5C00;
	s24 =	simm.s32 $0x1C0  }
0x53: {  	[tilespmem:s1], [sflag:$0x8] =	stream.indirect.gather [hbm4b:s2+s18], $0x80, s24, s18, $0xb8;
	[tilespmem:$0x15C00] =	vst v63  }
0x54: {  	s25 =	simm.s32 $0x200;
	s21 =	simm.s32 $0x7C00;
	s26 =	simm.s32 $0x240  }
0x55: {  	[tilespmem:s3], [sflag:$0x9] =	stream.indirect.gather [hbm4b:s2+s18], $0x80, s25, s18, $0xb8;
	[tilespmem:$0x15C00] =	vst v63  }
0x56: {  	s22 =	rddreg [dreg:$0x2];
	s1 =	simm.s32 $0xFC00;
	s24 =	simm.s32 $0x0  }
0x57: {  	[tilespmem:s23], [sflag:$0xA] =	stream.indirect.gather [hbm4b:s2+s18], $0x80, s26, s18, $0xb8;
	[tilespmem:$0x15C00] =	vst v63  }
0x58: {  	s3 =	simm.s32 $0x11C00;
	s25 =	simm.s32 $0x9C00;
	s23 =	simm.s32 $0x13C00  }
.LBB2_2:
0x59: {  	s26 =	simm.s32 $0x1  }
0x5a: {  	_ =	swait.ge [sflag:s26], $0x2000  }
0x5b: {  	[sflag:s26] =	ssyncset.done $0x0  }
0x5c: {  	[sflag:s26] =	ssyncadd.s32 $0xFFFFE000;
	s26 =	rddreg [dreg:$0xf]  }
0x5d: {  	s26 =	sadd.s32 s22, s26  }
0x5e: {  	[hbm4b:s26+s4] =	stream.linear.scatter [tilespmem:s29], [sflag:$0xB], $0x2000, $0x38;
	[tilespmem:$0x15C00] =	vst v63  }
0x5f: {  	s26 =	simm.s32 $0x2  }
0x60: {  	_ =	swait.ge [sflag:s26], $0x2000  }
0x61: {  	[sflag:s26] =	ssyncset.done $0x0  }
0x62: {  	[sflag:s26] =	ssyncadd.s32 $0xFFFFE000;
	s26 =	rddreg [dreg:$0xe]  }
0x63: {  	s26 =	sadd.s32 s22, s26  }
0x64: {  	[hbm4b:s26+s4] =	stream.linear.scatter [tilespmem:s31], [sflag:$0xC], $0x2000, $0x38;
	[tilespmem:$0x15C00] =	vst v63  }
0x65: {  	s26 =	simm.s32 $0x3  }
0x66: {  	_ =	swait.ge [sflag:s26], $0x2000  }
0x67: {  	[sflag:s26] =	ssyncset.done $0x0  }
0x68: {  	[sflag:s26] =	ssyncadd.s32 $0xFFFFE000;
	s26 =	rddreg [dreg:$0xd]  }
0x69: {  	s26 =	sadd.s32 s22, s26  }
0x6a: {  	[hbm4b:s26+s4] =	stream.linear.scatter [tilespmem:s0], [sflag:$0xD], $0x2000, $0x38;
	[tilespmem:$0x15C00] =	vst v63  }
0x6b: {  	s26 =	simm.s32 $0x4  }
0x6c: {  	_ =	swait.ge [sflag:s26], $0x2000  }
0x6d: {  	[sflag:s26] =	ssyncset.done $0x0  }
0x6e: {  	[sflag:s26] =	ssyncadd.s32 $0xFFFFE000;
	s26 =	rddreg [dreg:$0xc]  }
0x6f: {  	s26 =	sadd.s32 s22, s26  }
0x70: {  	[hbm4b:s26+s4] =	stream.linear.scatter [tilespmem:s21], [sflag:$0xE], $0x2000, $0x38;
	[tilespmem:$0x15C00] =	vst v63  }
0x71: {  	s26 =	simm.s32 $0x5  }
0x72: {  	_ =	swait.ge [sflag:s26], $0x2000  }
0x73: {  	[sflag:s26] =	ssyncset.done $0x0  }
0x74: {  	[sflag:s26] =	ssyncadd.s32 $0xFFFFE000;
	s26 =	rddreg [dreg:$0xb]  }
0x75: {  	s26 =	sadd.s32 s22, s26  }
0x76: {  	[hbm4b:s26+s4] =	stream.linear.scatter [tilespmem:s25], [sflag:$0xF], $0x2000, $0x38;
	[tilespmem:$0x15C00] =	vst v63  }
0x77: {  	_ =	swait.ge [sflag:s5], $0x2000  }
0x78: {  	[sflag:s5] =	ssyncset.done $0x0;
	s26 =	rddreg [dreg:$0xa]  }
0x79: {  	[sflag:s5] =	ssyncadd.s32 $0xFFFFE000;
	s26 =	sadd.s32 s22, s26  }
0x7a: {  	[hbm4b:s26+s4] =	stream.linear.scatter [tilespmem:s28], [sflag:$0x10], $0x2000, $0x38;
	[tilespmem:$0x15C00] =	vst v63  }
0x7b: {  	_ =	swait.ge [sflag:s6], $0x2000  }
0x7c: {  	[sflag:s6] =	ssyncset.done $0x0;
	s26 =	rddreg [dreg:$0x9]  }
0x7d: {  	[sflag:s6] =	ssyncadd.s32 $0xFFFFE000;
	s26 =	sadd.s32 s22, s26  }
0x7e: {  	[hbm4b:s26+s4] =	stream.linear.scatter [tilespmem:s30], [sflag:$0x11], $0x2000, $0x38;
	[tilespmem:$0x15C00] =	vst v63  }
0x7f: {  	_ =	swait.ge [sflag:s17], $0x2000  }
0x80: {  	[sflag:s17] =	ssyncset.done $0x0;
	s26 =	rddreg [dreg:$0x8]  }
0x81: {  	[sflag:s17] =	ssyncadd.s32 $0xFFFFE000;
	s26 =	sadd.s32 s22, s26  }
0x82: {  	[hbm4b:s26+s4] =	stream.linear.scatter [tilespmem:s1], [sflag:$0x12], $0x2000, $0x38;
	[tilespmem:$0x15C00] =	vst v63  }
0x83: {  	_ =	swait.ge [sflag:s7], $0x2000  }
0x84: {  	[sflag:s7] =	ssyncset.done $0x0;
	s26 =	rddreg [dreg:$0x7]  }
0x85: {  	[sflag:s7] =	ssyncadd.s32 $0xFFFFE000;
	s26 =	sadd.s32 s22, s26  }
0x86: {  	[hbm4b:s26+s4] =	stream.linear.scatter [tilespmem:s3], [sflag:$0x13], $0x2000, $0x38;
	[tilespmem:$0x15C00] =	vst v63  }
0x87: {  	_ =	swait.ge [sflag:s8], $0x2000  }
0x88: {  	p0 =	sne.s32 s24, $0x5A00;
	[sflag:s8] =	ssyncset.done $0x0;
	s26 =	rddreg [dreg:$0x6]  }
.Ltmp2:
0x89: {  	[sflag:s8] =	ssyncadd.s32 $0xFFFFE000;
	s26 =	sadd.s32 s22, s26;
	(pc) =	sbr.rel @!p0 .LBB2_3-.Ltmp2, $4  }
0x8a: {  	[hbm4b:s26+s4] =	stream.linear.scatter [tilespmem:s23], [sflag:$0x14], $0x2000, $0x38;
	[tilespmem:$0x15C00] =	vst v63  }
0x8b: {  	_ =	swait.ge [sflag:s9], $0x2000  }
0x8c: {  	[sflag:s9] =	ssyncset.done $0x0  }
0x8d: {  	[sflag:s9] =	ssyncadd.s32 $0xFFFFE000  }
0x8e: {  	s26 =	sshra.s32 s24, $0x2  }
0x8f: {  	s31 =	simm.s32 $0x1C00;
	s29 =	sadd.s32 $0x280, s26  }
0x90: {  	[tilespmem:s31], [sflag:$0x1] =	stream.indirect.gather [hbm4b:s2+s18], $0x80, s29, s18, $0xb8;
	[tilespmem:$0x15C00] =	vst v63  }
0x91: {  	_ =	swait.ge [sflag:s10], $0x2000  }
0x92: {  	[sflag:s10] =	ssyncset.done $0x0  }
0x93: {  	s31 =	simm.s32 $0x3C00;
	s29 =	sadd.s32 $0x2C0, s26;
	[sflag:s10] =	ssyncadd.s32 $0xFFFFE000  }
0x94: {  	[tilespmem:s31], [sflag:$0x2] =	stream.indirect.gather [hbm4b:s2+s18], $0x80, s29, s18, $0xb8;
	[tilespmem:$0x15C00] =	vst v63  }
0x95: {  	_ =	swait.ge [sflag:s11], $0x2000  }
0x96: {  	[sflag:s11] =	ssyncset.done $0x0  }
0x97: {  	s29 =	sadd.s32 $0x300, s26;
	[sflag:s11] =	ssyncadd.s32 $0xFFFFE000  }
0x98: {  	[tilespmem:s0], [sflag:$0x3] =	stream.indirect.gather [hbm4b:s2+s18], $0x80, s29, s18, $0xb8;
	[tilespmem:$0x15C00] =	vst v63  }
0x99: {  	_ =	swait.ge [sflag:s12], $0x2000  }
0x9a: {  	[sflag:s12] =	ssyncset.done $0x0  }
0x9b: {  	s29 =	sadd.s32 $0x340, s26;
	[sflag:s12] =	ssyncadd.s32 $0xFFFFE000  }
0x9c: {  	[tilespmem:s21], [sflag:$0x4] =	stream.indirect.gather [hbm4b:s2+s18], $0x80, s29, s18, $0xb8;
	[tilespmem:$0x15C00] =	vst v63  }
0x9d: {  	_ =	swait.ge [sflag:s13], $0x2000  }
0x9e: {  	[sflag:s13] =	ssyncset.done $0x0  }
0x9f: {  	s29 =	sadd.s32 $0x380, s26;
	[sflag:s13] =	ssyncadd.s32 $0xFFFFE000  }
0xa0: {  	[tilespmem:s25], [sflag:$0x5] =	stream.indirect.gather [hbm4b:s2+s18], $0x80, s29, s18, $0xb8;
	[tilespmem:$0x15C00] =	vst v63  }
0xa1: {  	_ =	swait.ge [sflag:s14], $0x2000  }
0xa2: {  	[sflag:s14] =	ssyncset.done $0x0  }
0xa3: {  	s29 =	sadd.s32 $0x3C0, s26;
	[sflag:s14] =	ssyncadd.s32 $0xFFFFE000  }
0xa4: {  	[tilespmem:s28], [sflag:$0x6] =	stream.indirect.gather [hbm4b:s2+s18], $0x80, s29, s18, $0xb8;
	[tilespmem:$0x15C00] =	vst v63  }
0xa5: {  	_ =	swait.ge [sflag:s15], $0x2000  }
0xa6: {  	[sflag:s15] =	ssyncset.done $0x0  }
0xa7: {  	s29 =	sadd.s32 $0x400, s26;
	[sflag:s15] =	ssyncadd.s32 $0xFFFFE000  }
0xa8: {  	[tilespmem:s30], [sflag:$0x7] =	stream.indirect.gather [hbm4b:s2+s18], $0x80, s29, s18, $0xb8;
	[tilespmem:$0x15C00] =	vst v63  }
0xa9: {  	_ =	swait.ge [sflag:s16], $0x2000  }
0xaa: {  	[sflag:s16] =	ssyncset.done $0x0  }
0xab: {  	s29 =	sadd.s32 $0x440, s26;
	[sflag:s16] =	ssyncadd.s32 $0xFFFFE000  }
0xac: {  	[tilespmem:s1], [sflag:$0x8] =	stream.indirect.gather [hbm4b:s2+s18], $0x80, s29, s18, $0xb8;
	[tilespmem:$0x15C00] =	vst v63  }
0xad: {  	_ =	swait.ge [sflag:s19], $0x2000  }
0xae: {  	s24 =	sadd.s32 $0xA00, s24;
	[sflag:s19] =	ssyncset.done $0x0  }
0xaf: {  	p0 =	sne.s32 s24, $0x6400;
	s29 =	sadd.s32 $0x480, s26;
	[sflag:s19] =	ssyncadd.s32 $0xFFFFE000  }
0xb0: {  	[tilespmem:s3], [sflag:$0x9] =	stream.indirect.gather [hbm4b:s2+s18], $0x80, s29, s18, $0xb8;
	[tilespmem:$0x15C00] =	vst v63  }
.Ltmp3:
0xb1: {  	_ = 	snop;
	(pc) =	sbr.rel @p0 .LBB2_2-.Ltmp3, $4  }
.Ltmp4:
0xb2: {  	_ =	swait.ge [sflag:s20], $0x2000;
	(pc) =	sbr.rel @!p0 .LBB2_5-.Ltmp4, $4  }
0xb3: {  	s22 =	sadd.s32 $0x50000, s22;
	[sflag:s20] =	ssyncset.done $0x0  }
0xb4: {  	s26 =	sadd.s32 $0x4C0, s26;
	s29 =	simm.s32 $0x1C00;
	[sflag:s20] =	ssyncadd.s32 $0xFFFFE000  }
0xb5: {  	[tilespmem:s23], [sflag:$0xA] =	stream.indirect.gather [hbm4b:s2+s18], $0x80, s26, s18, $0xb8;
	[tilespmem:$0x15C00] =	vst v63  }
0xb6: {  	_ = 	snop  }
.LBB2_6:
0xb7: {  	_ =	sfence.sel $0x180000  }
0xb8: {  	[bflag:$0x0] =	sbarrier.arrive $0xFFFF  }
0xb9: {  	_ =	strace $0x90000047  }
0xba: {  	s0 =	stileid.u32;
	[bflag:$0x2] =	sbarrier.arrive $0xFFFF  }
0xbb: {  	p0 =	sne.s32 s0, $0x0;
	s0 =	rddreg [dreg:$0x3]  }
0xbc: {  	s0 =	sadd.s32 @!p0 $0x100000, s0  }
0xbd: {  	[sflag:s0] =	ssyncadd.tile.s32 @!p0 $0x1;
	_ =	shalt  }
.Lfunc_end2:
_tile_overlayer_lowered:
.L_overlay_start_2:
0xbe: {  	(tag) =	ssettag $0x2  }
0xbf: {  	s0 =	rddreg [dreg:$0x0];
	s2 =	stileid.u32  }
0xc0: {  	s1 =	rddreg [dreg:$0x1];
	p0 =	sne.s32 s2, $0x0  }
0xc1: {  	s3 =	rddreg [dreg:$0x2];
	[bflag:$0x3] =	sbarrier.arrive $0xFFFF;
	s2 =	simm.s32 @!p0 $0x1C15  }
0xc2: {  	[timem:s3], [sflag:s2] =	dma.local @!p0 [hbm:s0], s1  }
0xc3: {  	s0 =	simm.s32 @!p0 $0x15  }
0xc4: {  	_ =	swait.ge @!p0 [sflag:s0], s1  }
0xc5: {  	s1 =	ssub.s32 @!p0 $0x0, s1;
	[sflag:s0] =	ssyncset.done @!p0 $0x0  }
0xc6: {  	[sflag:s0] =	ssyncadd.s32 @!p0 s1  }
0xc7: {  	[bflag:$0x3] =	sbarrier.arrive $0xFFFF  }
0xc8: {  	_ =	shalt  }

</sc_bundles>
